<compile_context>
chip_gen: v7x
topology: tpu7x:2x2x1
jax: 0.10.2.dev20260603
libtpu: 0.0.44.dev20260713+nightly
codegen_flags: <defaults>
</compile_context>

<pallas_src>
import functools

import jax
import jax.numpy as jnp
import numpy as np
from jax import lax
from jax.experimental import pallas as pl
from jax.experimental.pallas import tpu as pltpu
from jax.experimental.pallas import tpu_sc as plsc

N = 10000
D = 128
RPT = 632
RPT_LAST = N - 15 * RPT
CNT_ROWS = 10112
CPT = 640
CPT_LAST = CNT_ROWS - 15 * CPT
CHUNK = 128
NCHUNKS = 2500
NTILES = 32


def _sc_aggregate(x, adj3, zrows, zcnt):
  mesh = plsc.VectorSubcoreMesh(core_axis_name="c", subcore_axis_name="s")

  @functools.partial(
      pl.kernel,
      out_type=(
          jax.ShapeDtypeStruct((2, N, D), jnp.float32),
          jax.ShapeDtypeStruct((2 * CNT_ROWS,), jnp.float32),
      ),
      mesh=mesh,
      scratch_types=[
          pltpu.VMEM((3, CHUNK), jnp.int32),
          pltpu.VMEM((4, CHUNK), jnp.int32),
          pltpu.VMEM((3, CHUNK, D), jnp.float32),
          pltpu.VMEM((CHUNK,), jnp.float32),
          pltpu.VMEM_SHARED((N, D), jnp.float32),
          pltpu.VMEM_SHARED((CNT_ROWS,), jnp.float32),
          pltpu.SemaphoreType.DMA((3,)),
          pltpu.SemaphoreType.DMA((4,)),
          pltpu.SemaphoreType.DMA((3,)),
          pltpu.SemaphoreType.DMA((3,)),
          pltpu.SemaphoreType.DMA((3,)),
      ],
  )
  def agg(x_hbm, adj_hbm, zrows_hbm, zcnt_hbm, sums_hbm, counts_hbm,
          src_v, dst_v, rows, ones_v, acc, cacc,
          sisem, disem, gsem, ssem, osem):
    c = lax.axis_index("c")
    s = lax.axis_index("s")
    wid = s * 2 + c
    one16 = jnp.ones((16,), jnp.float32)
    nk = lax.select(wid < NCHUNKS % NTILES,
                    jnp.int32(NCHUNKS // NTILES + 1),
                    jnp.int32(NCHUNKS // NTILES))

    def zone(j, _):
      ones_v[pl.ds(j * 16, 16)] = one16
      return 0
    lax.fori_loop(0, CHUNK // 16, zone, 0)
    @pl.when(s < 15)
    def _():
      pltpu.sync_copy(zrows_hbm, acc.at[pl.ds(s * RPT, RPT)])
      pltpu.sync_copy(zcnt_hbm, cacc.at[pl.ds(s * CPT, CPT)])
    @pl.when(s == 15)
    def _():
      pltpu.sync_copy(zrows_hbm.at[pl.ds(0, RPT_LAST)],
                      acc.at[pl.ds(15 * RPT, RPT_LAST)])
      pltpu.sync_copy(zcnt_hbm.at[pl.ds(0, CPT_LAST)],
                      cacc.at[pl.ds(15 * CPT, CPT_LAST)])
    plsc.subcore_barrier()

    def src_start(k):
      kb = lax.rem(k, 3)
      off = (wid + k * NTILES) * CHUNK
      pltpu.async_copy(adj_hbm.at[0, pl.ds(off, CHUNK)], src_v.at[kb],
                       sisem.at[kb])
    def src_wait(k):
      kb = lax.rem(k, 3)
      off = (wid + k * NTILES) * CHUNK
      pltpu.make_async_copy(adj_hbm.at[0, pl.ds(off, CHUNK)], src_v.at[kb],
                            sisem.at[kb]).wait()
    def dst_start(k):
      kb = lax.rem(k, 4)
      off = (wid + k * NTILES) * CHUNK
      pltpu.async_copy(adj_hbm.at[1, pl.ds(off, CHUNK)], dst_v.at[kb],
                       disem.at[kb])
    def dst_wait(k):
      kb = lax.rem(k, 4)
      off = (wid + k * NTILES) * CHUNK
      pltpu.make_async_copy(adj_hbm.at[1, pl.ds(off, CHUNK)], dst_v.at[kb],
                            disem.at[kb]).wait()
    def gather_start(k, b):
      pltpu.async_copy(x_hbm.at[dst_v.at[lax.rem(k, 4)]], rows.at[b],
                       gsem.at[b])
    def gather_wait(k, b):
      pltpu.make_async_copy(x_hbm.at[dst_v.at[lax.rem(k, 4)]], rows.at[b],
                            gsem.at[b]).wait()
    def scatter_start(k, b):
      kb = lax.rem(k, 3)
      pltpu.async_copy(rows.at[b], acc.at[src_v.at[kb]], ssem.at[b],
                       add=True)
      pltpu.async_copy(ones_v, cacc.at[src_v.at[kb]], osem.at[b],
                       add=True)
    def scatter_wait(k, b):
      kb = lax.rem(k, 3)
      pltpu.make_async_copy(rows.at[b], acc.at[src_v.at[kb]],
                            ssem.at[b]).wait()
      pltpu.make_async_copy(ones_v, cacc.at[src_v.at[kb]],
                            osem.at[b]).wait()

    src_start(0)
    src_start(1)
    dst_start(0)
    dst_start(1)
    dst_start(2)
    dst_wait(0)
    gather_start(0, 0)
    dst_wait(1)
    gather_start(1, 1)
    def chunk_body(k, _):
      b = lax.rem(k, 3)
      b2 = lax.rem(k + 2, 3)
      @pl.when(k >= 1)
      def _():
        scatter_wait(k - 1, b2)
      @pl.when(k + 2 < nk)
      def _():
        dst_wait(k + 2)
        gather_start(k + 2, b2)
      gather_wait(k, b)
      src_wait(k)
      scatter_start(k, b)
      @pl.when(k + 2 < nk)
      def _():
        src_start(k + 2)
      @pl.when(k + 3 < nk)
      def _():
        dst_start(k + 3)
      return 0
    lax.fori_loop(0, nk, chunk_body, 0)
    scatter_wait(nk - 1, lax.rem(nk - 1, 3))
    plsc.subcore_barrier()

    @pl.when(s < 15)
    def _():
      pltpu.sync_copy(acc.at[pl.ds(s * RPT, RPT)],
                      sums_hbm.at[c, pl.ds(s * RPT, RPT)])
      pltpu.sync_copy(cacc.at[pl.ds(s * CPT, CPT)],
                      counts_hbm.at[pl.ds(c * CNT_ROWS + s * CPT, CPT)])
    @pl.when(s == 15)
    def _():
      pltpu.sync_copy(acc.at[pl.ds(15 * RPT, RPT_LAST)],
                      sums_hbm.at[c, pl.ds(15 * RPT, RPT_LAST)])
      pltpu.sync_copy(cacc.at[pl.ds(15 * CPT, CPT_LAST)],
                      counts_hbm.at[pl.ds(c * CNT_ROWS + 15 * CPT, CPT_LAST)])

  return agg(x, adj3, zrows, zcnt)


def _tc_finish_body(p_ref, c_ref, x_ref, w_ref, o_ref):
  cpair = jnp.transpose(c_ref[...])
  cnt = cpair[:N, 0:1] + cpair[:N, 1:2] + 1.0
  mean = (p_ref[0] + p_ref[1] + x_ref[...]) / cnt
  o_ref[...] = jnp.dot(mean, w_ref[...], preferred_element_type=jnp.float32)


def _tc_finish(sums, counts2, x, w):
  return pl.pallas_call(
      _tc_finish_body,
      grid=(1,),
      in_specs=[
          pl.BlockSpec((2, N, D), lambda i: (0, 0, 0)),
          pl.BlockSpec((2, CNT_ROWS), lambda i: (0, 0)),
          pl.BlockSpec((N, D), lambda i: (0, 0)),
          pl.BlockSpec((D, D), lambda i: (0, 0)),
      ],
      out_specs=pl.BlockSpec((N, D), lambda i: (0, 0)),
      out_shape=jax.ShapeDtypeStruct((N, D), jnp.float32),
  )(sums, counts2, x, w)


_ZROWS = np.zeros((RPT, D), np.float32)
_ZCNT = np.zeros((CPT,), np.float32)


def kernel(input_matrix, adjacency_coo_matrix, weights_matrix):
  x = input_matrix
  e = adjacency_coo_matrix.shape[1]
  assert e == NCHUNKS * CHUNK
  adj3 = adjacency_coo_matrix.astype(jnp.int32)
  zrows = _ZROWS
  zcnt = _ZCNT

  sums, counts = _sc_aggregate(x, adj3, zrows, zcnt)
  counts2 = counts.reshape(2, CNT_ROWS)
  return _tc_finish(sums, counts2, x, weights_matrix)

# --- scband reference (transcript-rebuilt; emitter-appended) ---
"""Pipeline reference for scband-mean-aggregator-60387240181927 (READ-ONLY COPY).

The authoritative reference and input builder live on the scoring server;
editing this copy changes nothing except your own understanding.
"""

import jax, jax.numpy as jnp
import numpy as np

N_NODES = 10000
N_EDGES = 320000
D_IN = 128
D_OUT = 128


def setup_inputs(seed: int = 0) -> dict:
    key = jax.random.key(seed)
    k1, k2, k3 = jax.random.split(key, 3)
    input_matrix = jax.random.normal(k1, (N_NODES, D_IN), dtype=jnp.float32)
    adjacency_coo_matrix = jax.random.randint(k2, (2, N_EDGES), 0, N_NODES)
    # xavier_uniform init for weights_matrix [D_IN, D_OUT]
    limit = np.sqrt(6.0 / (D_IN + D_OUT))
    weights_matrix = jax.random.uniform(k3, (D_IN, D_OUT), minval=-limit, maxval=limit, dtype=jnp.float32)
    return {
        "input_matrix": input_matrix,
        "adjacency_coo_matrix": adjacency_coo_matrix,
        "weights_matrix": weights_matrix,
    }


def reference(input_matrix, adjacency_coo_matrix, weights_matrix):
    n = input_matrix.shape[0]
    # add_self_edges_to_adjacency_matrix: append (i, i) for every node
    self_idx = jnp.arange(n, dtype=adjacency_coo_matrix.dtype)
    adj = jnp.concatenate(
        [adjacency_coo_matrix, jnp.stack([self_idx, self_idx], axis=0)], axis=1
    )
    edge_src_idxs = adj[0]
    # gather neighbor features by adj[1] (index_select along dim 0)
    neighbors = jnp.take(input_matrix, adj[1], axis=0)
    # scatter_mean over edge_src_idxs
    sums = jax.ops.segment_sum(neighbors, edge_src_idxs, num_segments=n)
    counts = jax.ops.segment_sum(
        jnp.ones((adj.shape[1],), dtype=jnp.float32), edge_src_idxs, num_segments=n
    )
    mean = sums / jnp.maximum(counts, 1.0)[:, None]
    return mean @ weights_matrix

if __name__ == "__main__":
    import jax
    _d = setup_inputs()
    print(jax.jit(kernel)(*tuple(_d.values())))

</pallas_src>

<mosaic_0001>
#map = affine_map<(d0, d1) -> (0, 0)>
#map1 = affine_map<(d0, d1) -> (0)>
#map2 = affine_map<(d0, d1) -> (0, 0, 0)>
module attributes {stable_mosaic.version = 14 : i64} {
  func.func @agg(%arg0: i32, %arg1: i32, %arg2: memref<10000x128xf32, #tpu.memory_space<hbm>>, %arg3: memref<2x320000xi32, #tpu.memory_space<hbm>>, %arg4: memref<632x128xf32, #tpu.memory_space<hbm>>, %arg5: memref<640xf32, #tpu.memory_space<hbm>>, %arg6: memref<2x10000x128xf32, #tpu.memory_space<hbm>>, %arg7: memref<20224xf32, #tpu.memory_space<hbm>>, %arg8: memref<3x128xi32, #tpu.memory_space<vmem>>, %arg9: memref<4x128xi32, #tpu.memory_space<vmem>>, %arg10: memref<3x128x128xf32, #tpu.memory_space<vmem>>, %arg11: memref<128xf32, #tpu.memory_space<vmem>>, %arg12: memref<10000x128xf32, #tpu.memory_space<vmem_shared>>, %arg13: memref<10112xf32, #tpu.memory_space<vmem_shared>>, %arg14: memref<3x!tpu.dma_semaphore, #tpu.memory_space<semaphore_mem>>, %arg15: memref<4x!tpu.dma_semaphore, #tpu.memory_space<semaphore_mem>>, %arg16: memref<3x!tpu.dma_semaphore, #tpu.memory_space<semaphore_mem>>, %arg17: memref<3x!tpu.dma_semaphore, #tpu.memory_space<semaphore_mem>>, %arg18: memref<3x!tpu.dma_semaphore, #tpu.memory_space<semaphore_mem>>) attributes {dimension_semantics = [#tpu.dimension_semantics<core_parallel>, #tpu.dimension_semantics<subcore_parallel>], iteration_bounds = array<i64: 2, 16>, scalar_prefetch = 0 : i64, scratch_operands = 11 : i64, tpu.core_type = #tpu.core_type<sc_vector_subcore>, window_params = [{transform_indices = #map}, {transform_indices = #map}, {transform_indices = #map}, {transform_indices = #map1}, {transform_indices = #map2}, {transform_indices = #map1}]} {
    %mul3A = arith.constant 2 : i32
    %mul3A_0 = arith.muli %arg1, %mul3A : i32
    %add3A = arith.addi %mul3A_0, %arg0 : i32
    %broadcast_in_dim3A = arith.constant 1.000000e+00 : f32
    %broadcast_in_dim3A_1 = vector.broadcast %broadcast_in_dim3A : f32 to vector<16xf32>
    %lt3A = arith.constant 4 : i32
    %lt3A_2 = arith.cmpi slt, %add3A, %lt3A : i32
    %select_n3A = arith.constant 78 : i32
    %select_n3A_3 = arith.constant 79 : i32
    %select_n3A_4 = arith.select %lt3A_2, %select_n3A_3, %select_n3A : i32
    %scan3A = arith.constant 0 : i32
    %scan3A_5 = arith.constant 0 : i32
    %scan3A_6 = arith.constant 8 : i32
    %scan3A_7 = arith.addi %scan3A_5, %scan3A_6 : i32
    %scan3A_8 = arith.constant 1 : i32
    %scan3A_9 = scf.for %scan3A_237 = %scan3A_5 to %scan3A_7 step %scan3A_8 iter_args(%scan3A_238 = %scan3A) -> (i32)  : i32 {
      %mul3A_239 = arith.constant 16 : i32
      %mul3A_240 = arith.muli %scan3A_237, %mul3A_239 : i32
      %swap3A = arith.index_cast %mul3A_240 : i32 to index
      %swap3A_241 = tpu.vector_load %arg11[%swap3A] {strides = array<i32>} : memref<128xf32, #tpu.memory_space<vmem>>, vector<16xf32>,
      %swap3A_242 = vector.shape_cast %swap3A_241 : vector<16xf32> to vector<16xf32>
      %swap3A_243 = vector.shape_cast %broadcast_in_dim3A_1 : vector<16xf32> to vector<16xf32>
      tpu.vector_store %arg11[%swap3A], %swap3A_243 {strides = array<i32>} : memref<128xf32, #tpu.memory_space<vmem>>, vector<16xf32>,
      %scan3A_244 = arith.constant 0 : i32
      scf.yield %scan3A_244 : i32
    }
    %scan3A_10 = arith.constant 8 : i32
    %lt3A_11 = arith.constant 15 : i32
    %lt3A_12 = arith.cmpi slt, %arg1, %lt3A_11 : i32
    %convert_element_type3A = arith.extui %lt3A_12 : i1 to i32
    %cond3A = arith.constant 0 : i32
    %cond3A_13 = arith.cmpi ne, %convert_element_type3A, %cond3A : i32
    scf.if %cond3A_13 {
      %mul3A_237 = arith.constant 632 : i32
      %mul3A_238 = arith.muli %arg1, %mul3A_237 : i32
      "tpu.region"() ({
        %run_scoped3A = tpu.sem_alloc : memref<!tpu.dma_semaphore, #tpu.memory_space<semaphore_mem>>
        %dma_start3A_241 = arith.constant 0 : i32
        %dma_start3A_242 = tpu.memref_slice %arg12[%mul3A_238, %dma_start3A_241] : memref<10000x128xf32, #tpu.memory_space<vmem_shared>> -> memref<632x128xf32, #tpu.memory_space<vmem_shared>>
        tpu.enqueue_dma source(%arg4 : memref<632x128xf32, #tpu.memory_space<hbm>>) target(%dma_start3A_242 : memref<632x128xf32, #tpu.memory_space<vmem_shared>>) target_semaphore(%run_scoped3A : memref<!tpu.dma_semaphore, #tpu.memory_space<semaphore_mem>>)
        %dma_wait3A_243 = arith.constant 0 : i32
        %dma_wait3A_244 = tpu.memref_slice %arg12[%mul3A_238, %dma_wait3A_243] : memref<10000x128xf32, #tpu.memory_space<vmem_shared>> -> memref<632x128xf32, #tpu.memory_space<vmem_shared>>
        tpu.wait_dma2 semaphore(%run_scoped3A : memref<!tpu.dma_semaphore, #tpu.memory_space<semaphore_mem>>) src(%arg4 : memref<632x128xf32, #tpu.memory_space<hbm>>) dst(%dma_wait3A_244 : memref<632x128xf32, #tpu.memory_space<vmem_shared>>)
        tpu.yield
      }) : () -> ()
      %mul3A_239 = arith.constant 640 : i32
      %mul3A_240 = arith.muli %arg1, %mul3A_239 : i32
      "tpu.region"() ({
        %run_scoped3A = tpu.sem_alloc : memref<!tpu.dma_semaphore, #tpu.memory_space<semaphore_mem>>
        %dma_start3A_241 = tpu.memref_slice %arg13[%mul3A_240] : memref<10112xf32, #tpu.memory_space<vmem_shared>> -> memref<640xf32, #tpu.memory_space<vmem_shared>>
        tpu.enqueue_dma source(%arg5 : memref<640xf32, #tpu.memory_space<hbm>>) target(%dma_start3A_241 : memref<640xf32, #tpu.memory_space<vmem_shared>>) target_semaphore(%run_scoped3A : memref<!tpu.dma_semaphore, #tpu.memory_space<semaphore_mem>>)
        %dma_wait3A_242 = tpu.memref_slice %arg13[%mul3A_240] : memref<10112xf32, #tpu.memory_space<vmem_shared>> -> memref<640xf32, #tpu.memory_space<vmem_shared>>
        tpu.wait_dma2 semaphore(%run_scoped3A : memref<!tpu.dma_semaphore, #tpu.memory_space<semaphore_mem>>) src(%arg5 : memref<640xf32, #tpu.memory_space<hbm>>) dst(%dma_wait3A_242 : memref<640xf32, #tpu.memory_space<vmem_shared>>)
        tpu.yield
      }) : () -> ()
    } else {
    }
    %eq3A = arith.constant 15 : i32
    %eq3A_14 = arith.cmpi eq, %arg1, %eq3A : i32
    %convert_element_type3A_15 = arith.extui %eq3A_14 : i1 to i32
    %cond3A_16 = arith.constant 0 : i32
    %cond3A_17 = arith.cmpi ne, %convert_element_type3A_15, %cond3A_16 : i32
    scf.if %cond3A_17 {
      "tpu.region"() ({
        %run_scoped3A = tpu.sem_alloc : memref<!tpu.dma_semaphore, #tpu.memory_space<semaphore_mem>>
        %dma_start3A_237 = arith.constant 9480 : i32
        %dma_start3A_238 = arith.constant 0 : i32
        %dma_start3A_239 = tpu.memref_slice %arg12[%dma_start3A_237, %dma_start3A_238] : memref<10000x128xf32, #tpu.memory_space<vmem_shared>> -> memref<520x128xf32, #tpu.memory_space<vmem_shared>>
        %dma_start3A_240 = arith.constant 0 : i32
        %dma_start3A_241 = arith.constant 0 : i32
        %dma_start3A_242 = tpu.memref_slice %arg4[%dma_start3A_240, %dma_start3A_241] : memref<632x128xf32, #tpu.memory_space<hbm>> -> memref<520x128xf32, #tpu.memory_space<hbm>>
        tpu.enqueue_dma source(%dma_start3A_242 : memref<520x128xf32, #tpu.memory_space<hbm>>) target(%dma_start3A_239 : memref<520x128xf32, #tpu.memory_space<vmem_shared>>) target_semaphore(%run_scoped3A : memref<!tpu.dma_semaphore, #tpu.memory_space<semaphore_mem>>)
        %dma_wait3A_243 = arith.constant 9480 : i32
        %dma_wait3A_244 = arith.constant 0 : i32
        %dma_wait3A_245 = tpu.memref_slice %arg12[%dma_wait3A_243, %dma_wait3A_244] : memref<10000x128xf32, #tpu.memory_space<vmem_shared>> -> memref<520x128xf32, #tpu.memory_space<vmem_shared>>
        %dma_wait3A_246 = arith.constant 0 : i32
        %dma_wait3A_247 = arith.constant 0 : i32
        %dma_wait3A_248 = tpu.memref_slice %arg4[%dma_wait3A_246, %dma_wait3A_247] : memref<632x128xf32, #tpu.memory_space<hbm>> -> memref<520x128xf32, #tpu.memory_space<hbm>>
        tpu.wait_dma2 semaphore(%run_scoped3A : memref<!tpu.dma_semaphore, #tpu.memory_space<semaphore_mem>>) src(%dma_wait3A_248 : memref<520x128xf32, #tpu.memory_space<hbm>>) dst(%dma_wait3A_245 : memref<520x128xf32, #tpu.memory_space<vmem_shared>>)
        tpu.yield
      }) : () -> ()
      "tpu.region"() ({
        %run_scoped3A = tpu.sem_alloc : memref<!tpu.dma_semaphore, #tpu.memory_space<semaphore_mem>>
        %dma_start3A_237 = arith.constant 9600 : i32
        %dma_start3A_238 = tpu.memref_slice %arg13[%dma_start3A_237] : memref<10112xf32, #tpu.memory_space<vmem_shared>> -> memref<512xf32, #tpu.memory_space<vmem_shared>>
        %dma_start3A_239 = arith.constant 0 : i32
        %dma_start3A_240 = tpu.memref_slice %arg5[%dma_start3A_239] : memref<640xf32, #tpu.memory_space<hbm>> -> memref<512xf32, #tpu.memory_space<hbm>>
        tpu.enqueue_dma source(%dma_start3A_240 : memref<512xf32, #tpu.memory_space<hbm>>) target(%dma_start3A_238 : memref<512xf32, #tpu.memory_space<vmem_shared>>) target_semaphore(%run_scoped3A : memref<!tpu.dma_semaphore, #tpu.memory_space<semaphore_mem>>)
        %dma_wait3A_241 = arith.constant 9600 : i32
        %dma_wait3A_242 = tpu.memref_slice %arg13[%dma_wait3A_241] : memref<10112xf32, #tpu.memory_space<vmem_shared>> -> memref<512xf32, #tpu.memory_space<vmem_shared>>
        %dma_wait3A_243 = arith.constant 0 : i32
        %dma_wait3A_244 = tpu.memref_slice %arg5[%dma_wait3A_243] : memref<640xf32, #tpu.memory_space<hbm>> -> memref<512xf32, #tpu.memory_space<hbm>>
        tpu.wait_dma2 semaphore(%run_scoped3A : memref<!tpu.dma_semaphore, #tpu.memory_space<semaphore_mem>>) src(%dma_wait3A_244 : memref<512xf32, #tpu.memory_space<hbm>>) dst(%dma_wait3A_242 : memref<512xf32, #tpu.memory_space<vmem_shared>>)
        tpu.yield
      }) : () -> ()
    } else {
    }
    %barrier3A = arith.constant 0 : index
    tpu.barrier barrier_id(%barrier3A)
    %rem3A = arith.constant 0 : i32
    %rem3A_18 = arith.constant 3 : i32
    %rem3A_19 = arith.remsi %rem3A, %rem3A_18 : i32
    %add3A_20 = arith.constant 0 : i32
    %add3A_21 = arith.addi %add3A, %add3A_20 : i32
    %mul3A_22 = arith.constant 128 : i32
    %mul3A_23 = arith.muli %add3A_21, %mul3A_22 : i32
    %dma_start3A = arith.constant 0 : i32
    %dma_start3A_24 = arith.constant 0 : i32
    %dma_start3A_25 = tpu.memref_slice %arg8[%rem3A_19, %dma_start3A_24] : memref<3x128xi32, #tpu.memory_space<vmem>> -> memref<1x128xi32, #tpu.memory_space<vmem>>
    %dma_start3A_26 = tpu.memref_squeeze %dma_start3A_25 : memref<1x128xi32, #tpu.memory_space<vmem>> -> memref<128xi32, #tpu.memory_space<vmem>>
    %dma_start3A_27 = tpu.memref_slice %arg3[%dma_start3A, %mul3A_23] : memref<2x320000xi32, #tpu.memory_space<hbm>> -> memref<1x128xi32, #tpu.memory_space<hbm>>
    %dma_start3A_28 = tpu.memref_squeeze %dma_start3A_27 : memref<1x128xi32, #tpu.memory_space<hbm>> -> memref<128xi32, #tpu.memory_space<hbm>>
    %dma_start3A_29 = tpu.memref_slice %arg14[%rem3A_19] : memref<3x!tpu.dma_semaphore, #tpu.memory_space<semaphore_mem>> -> memref<1x!tpu.dma_semaphore, #tpu.memory_space<semaphore_mem>>
    %dma_start3A_30 = tpu.memref_squeeze %dma_start3A_29 : memref<1x!tpu.dma_semaphore, #tpu.memory_space<semaphore_mem>> -> memref<!tpu.dma_semaphore, #tpu.memory_space<semaphore_mem>>
    %dma_start3A_31 = arith.constant 0 : i32
    %dma_start3A_32 = tpu.memref_slice %arg8[%rem3A_19, %dma_start3A_31] : memref<3x128xi32, #tpu.memory_space<vmem>> -> memref<1x128xi32, #tpu.memory_space<vmem>>
    %dma_start3A_33 = tpu.memref_squeeze %dma_start3A_32 : memref<1x128xi32, #tpu.memory_space<vmem>> -> memref<128xi32, #tpu.memory_space<vmem>>
    %dma_start3A_34 = tpu.memref_slice %arg3[%dma_start3A, %mul3A_23] : memref<2x320000xi32, #tpu.memory_space<hbm>> -> memref<1x128xi32, #tpu.memory_space<hbm>>
    %dma_start3A_35 = tpu.memref_squeeze %dma_start3A_34 : memref<1x128xi32, #tpu.memory_space<hbm>> -> memref<128xi32, #tpu.memory_space<hbm>>
    tpu.enqueue_dma source(%dma_start3A_35 : memref<128xi32, #tpu.memory_space<hbm>>) target(%dma_start3A_33 : memref<128xi32, #tpu.memory_space<vmem>>) target_semaphore(%dma_start3A_30 : memref<!tpu.dma_semaphore, #tpu.memory_space<semaphore_mem>>)
    %rem3A_36 = arith.constant 1 : i32
    %rem3A_37 = arith.constant 3 : i32
    %rem3A_38 = arith.remsi %rem3A_36, %rem3A_37 : i32
    %add3A_39 = arith.constant 32 : i32
    %add3A_40 = arith.addi %add3A, %add3A_39 : i32
    %mul3A_41 = arith.constant 128 : i32
    %mul3A_42 = arith.muli %add3A_40, %mul3A_41 : i32
    %dma_start3A_43 = arith.constant 0 : i32
    %dma_start3A_44 = arith.constant 0 : i32
    %dma_start3A_45 = tpu.memref_slice %arg8[%rem3A_38, %dma_start3A_44] : memref<3x128xi32, #tpu.memory_space<vmem>> -> memref<1x128xi32, #tpu.memory_space<vmem>>
    %dma_start3A_46 = tpu.memref_squeeze %dma_start3A_45 : memref<1x128xi32, #tpu.memory_space<vmem>> -> memref<128xi32, #tpu.memory_space<vmem>>
    %dma_start3A_47 = tpu.memref_slice %arg3[%dma_start3A_43, %mul3A_42] : memref<2x320000xi32, #tpu.memory_space<hbm>> -> memref<1x128xi32, #tpu.memory_space<hbm>>
    %dma_start3A_48 = tpu.memref_squeeze %dma_start3A_47 : memref<1x128xi32, #tpu.memory_space<hbm>> -> memref<128xi32, #tpu.memory_space<hbm>>
    %dma_start3A_49 = tpu.memref_slice %arg14[%rem3A_38] : memref<3x!tpu.dma_semaphore, #tpu.memory_space<semaphore_mem>> -> memref<1x!tpu.dma_semaphore, #tpu.memory_space<semaphore_mem>>
    %dma_start3A_50 = tpu.memref_squeeze %dma_start3A_49 : memref<1x!tpu.dma_semaphore, #tpu.memory_space<semaphore_mem>> -> memref<!tpu.dma_semaphore, #tpu.memory_space<semaphore_mem>>
    %dma_start3A_51 = arith.constant 0 : i32
    %dma_start3A_52 = tpu.memref_slice %arg8[%rem3A_38, %dma_start3A_51] : memref<3x128xi32, #tpu.memory_space<vmem>> -> memref<1x128xi32, #tpu.memory_space<vmem>>
    %dma_start3A_53 = tpu.memref_squeeze %dma_start3A_52 : memref<1x128xi32, #tpu.memory_space<vmem>> -> memref<128xi32, #tpu.memory_space<vmem>>
    %dma_start3A_54 = tpu.memref_slice %arg3[%dma_start3A_43, %mul3A_42] : memref<2x320000xi32, #tpu.memory_space<hbm>> -> memref<1x128xi32, #tpu.memory_space<hbm>>
    %dma_start3A_55 = tpu.memref_squeeze %dma_start3A_54 : memref<1x128xi32, #tpu.memory_space<hbm>> -> memref<128xi32, #tpu.memory_space<hbm>>
    tpu.enqueue_dma source(%dma_start3A_55 : memref<128xi32, #tpu.memory_space<hbm>>) target(%dma_start3A_53 : memref<128xi32, #tpu.memory_space<vmem>>) target_semaphore(%dma_start3A_50 : memref<!tpu.dma_semaphore, #tpu.memory_space<semaphore_mem>>)
    %rem3A_56 = arith.constant 0 : i32
    %rem3A_57 = arith.constant 4 : i32
    %rem3A_58 = arith.remsi %rem3A_56, %rem3A_57 : i32
    %add3A_59 = arith.constant 0 : i32
    %add3A_60 = arith.addi %add3A, %add3A_59 : i32
    %mul3A_61 = arith.constant 128 : i32
    %mul3A_62 = arith.muli %add3A_60, %mul3A_61 : i32
    %dma_start3A_63 = arith.constant 1 : i32
    %dma_start3A_64 = arith.constant 0 : i32
    %dma_start3A_65 = tpu.memref_slice %arg9[%rem3A_58, %dma_start3A_64] : memref<4x128xi32, #tpu.memory_space<vmem>> -> memref<1x128xi32, #tpu.memory_space<vmem>>
    %dma_start3A_66 = tpu.memref_squeeze %dma_start3A_65 : memref<1x128xi32, #tpu.memory_space<vmem>> -> memref<128xi32, #tpu.memory_space<vmem>>
    %dma_start3A_67 = tpu.memref_slice %arg3[%dma_start3A_63, %mul3A_62] : memref<2x320000xi32, #tpu.memory_space<hbm>> -> memref<1x128xi32, #tpu.memory_space<hbm>>
    %dma_start3A_68 = tpu.memref_squeeze %dma_start3A_67 : memref<1x128xi32, #tpu.memory_space<hbm>> -> memref<128xi32, #tpu.memory_space<hbm>>
    %dma_start3A_69 = tpu.memref_slice %arg15[%rem3A_58] : memref<4x!tpu.dma_semaphore, #tpu.memory_space<semaphore_mem>> -> memref<1x!tpu.dma_semaphore, #tpu.memory_space<semaphore_mem>>
    %dma_start3A_70 = tpu.memref_squeeze %dma_start3A_69 : memref<1x!tpu.dma_semaphore, #tpu.memory_space<semaphore_mem>> -> memref<!tpu.dma_semaphore, #tpu.memory_space<semaphore_mem>>
    %dma_start3A_71 = arith.constant 0 : i32
    %dma_start3A_72 = tpu.memref_slice %arg9[%rem3A_58, %dma_start3A_71] : memref<4x128xi32, #tpu.memory_space<vmem>> -> memref<1x128xi32, #tpu.memory_space<vmem>>
    %dma_start3A_73 = tpu.memref_squeeze %dma_start3A_72 : memref<1x128xi32, #tpu.memory_space<vmem>> -> memref<128xi32, #tpu.memory_space<vmem>>
    %dma_start3A_74 = tpu.memref_slice %arg3[%dma_start3A_63, %mul3A_62] : memref<2x320000xi32, #tpu.memory_space<hbm>> -> memref<1x128xi32, #tpu.memory_space<hbm>>
    %dma_start3A_75 = tpu.memref_squeeze %dma_start3A_74 : memref<1x128xi32, #tpu.memory_space<hbm>> -> memref<128xi32, #tpu.memory_space<hbm>>
    tpu.enqueue_dma source(%dma_start3A_75 : memref<128xi32, #tpu.memory_space<hbm>>) target(%dma_start3A_73 : memref<128xi32, #tpu.memory_space<vmem>>) target_semaphore(%dma_start3A_70 : memref<!tpu.dma_semaphore, #tpu.memory_space<semaphore_mem>>)
    %rem3A_76 = arith.constant 1 : i32
    %rem3A_77 = arith.constant 4 : i32
    %rem3A_78 = arith.remsi %rem3A_76, %rem3A_77 : i32
    %add3A_79 = arith.constant 32 : i32
    %add3A_80 = arith.addi %add3A, %add3A_79 : i32
    %mul3A_81 = arith.constant 128 : i32
    %mul3A_82 = arith.muli %add3A_80, %mul3A_81 : i32
    %dma_start3A_83 = arith.constant 1 : i32
    %dma_start3A_84 = arith.constant 0 : i32
    %dma_start3A_85 = tpu.memref_slice %arg9[%rem3A_78, %dma_start3A_84] : memref<4x128xi32, #tpu.memory_space<vmem>> -> memref<1x128xi32, #tpu.memory_space<vmem>>
    %dma_start3A_86 = tpu.memref_squeeze %dma_start3A_85 : memref<1x128xi32, #tpu.memory_space<vmem>> -> memref<128xi32, #tpu.memory_space<vmem>>
    %dma_start3A_87 = tpu.memref_slice %arg3[%dma_start3A_83, %mul3A_82] : memref<2x320000xi32, #tpu.memory_space<hbm>> -> memref<1x128xi32, #tpu.memory_space<hbm>>
    %dma_start3A_88 = tpu.memref_squeeze %dma_start3A_87 : memref<1x128xi32, #tpu.memory_space<hbm>> -> memref<128xi32, #tpu.memory_space<hbm>>
    %dma_start3A_89 = tpu.memref_slice %arg15[%rem3A_78] : memref<4x!tpu.dma_semaphore, #tpu.memory_space<semaphore_mem>> -> memref<1x!tpu.dma_semaphore, #tpu.memory_space<semaphore_mem>>
    %dma_start3A_90 = tpu.memref_squeeze %dma_start3A_89 : memref<1x!tpu.dma_semaphore, #tpu.memory_space<semaphore_mem>> -> memref<!tpu.dma_semaphore, #tpu.memory_space<semaphore_mem>>
    %dma_start3A_91 = arith.constant 0 : i32
    %dma_start3A_92 = tpu.memref_slice %arg9[%rem3A_78, %dma_start3A_91] : memref<4x128xi32, #tpu.memory_space<vmem>> -> memref<1x128xi32, #tpu.memory_space<vmem>>
    %dma_start3A_93 = tpu.memref_squeeze %dma_start3A_92 : memref<1x128xi32, #tpu.memory_space<vmem>> -> memref<128xi32, #tpu.memory_space<vmem>>
    %dma_start3A_94 = tpu.memref_slice %arg3[%dma_start3A_83, %mul3A_82] : memref<2x320000xi32, #tpu.memory_space<hbm>> -> memref<1x128xi32, #tpu.memory_space<hbm>>
    %dma_start3A_95 = tpu.memref_squeeze %dma_start3A_94 : memref<1x128xi32, #tpu.memory_space<hbm>> -> memref<128xi32, #tpu.memory_space<hbm>>
    tpu.enqueue_dma source(%dma_start3A_95 : memref<128xi32, #tpu.memory_space<hbm>>) target(%dma_start3A_93 : memref<128xi32, #tpu.memory_space<vmem>>) target_semaphore(%dma_start3A_90 : memref<!tpu.dma_semaphore, #tpu.memory_space<semaphore_mem>>)
    %rem3A_96 = arith.constant 2 : i32
    %rem3A_97 = arith.constant 4 : i32
    %rem3A_98 = arith.remsi %rem3A_96, %rem3A_97 : i32
    %add3A_99 = arith.constant 64 : i32
    %add3A_100 = arith.addi %add3A, %add3A_99 : i32
    %mul3A_101 = arith.constant 128 : i32
    %mul3A_102 = arith.muli %add3A_100, %mul3A_101 : i32
    %dma_start3A_103 = arith.constant 1 : i32
    %dma_start3A_104 = arith.constant 0 : i32
    %dma_start3A_105 = tpu.memref_slice %arg9[%rem3A_98, %dma_start3A_104] : memref<4x128xi32, #tpu.memory_space<vmem>> -> memref<1x128xi32, #tpu.memory_space<vmem>>
    %dma_start3A_106 = tpu.memref_squeeze %dma_start3A_105 : memref<1x128xi32, #tpu.memory_space<vmem>> -> memref<128xi32, #tpu.memory_space<vmem>>
    %dma_start3A_107 = tpu.memref_slice %arg3[%dma_start3A_103, %mul3A_102] : memref<2x320000xi32, #tpu.memory_space<hbm>> -> memref<1x128xi32, #tpu.memory_space<hbm>>
    %dma_start3A_108 = tpu.memref_squeeze %dma_start3A_107 : memref<1x128xi32, #tpu.memory_space<hbm>> -> memref<128xi32, #tpu.memory_space<hbm>>
    %dma_start3A_109 = tpu.memref_slice %arg15[%rem3A_98] : memref<4x!tpu.dma_semaphore, #tpu.memory_space<semaphore_mem>> -> memref<1x!tpu.dma_semaphore, #tpu.memory_space<semaphore_mem>>
    %dma_start3A_110 = tpu.memref_squeeze %dma_start3A_109 : memref<1x!tpu.dma_semaphore, #tpu.memory_space<semaphore_mem>> -> memref<!tpu.dma_semaphore, #tpu.memory_space<semaphore_mem>>
    %dma_start3A_111 = arith.constant 0 : i32
    %dma_start3A_112 = tpu.memref_slice %arg9[%rem3A_98, %dma_start3A_111] : memref<4x128xi32, #tpu.memory_space<vmem>> -> memref<1x128xi32, #tpu.memory_space<vmem>>
    %dma_start3A_113 = tpu.memref_squeeze %dma_start3A_112 : memref<1x128xi32, #tpu.memory_space<vmem>> -> memref<128xi32, #tpu.memory_space<vmem>>
    %dma_start3A_114 = tpu.memref_slice %arg3[%dma_start3A_103, %mul3A_102] : memref<2x320000xi32, #tpu.memory_space<hbm>> -> memref<1x128xi32, #tpu.memory_space<hbm>>
    %dma_start3A_115 = tpu.memref_squeeze %dma_start3A_114 : memref<1x128xi32, #tpu.memory_space<hbm>> -> memref<128xi32, #tpu.memory_space<hbm>>
    tpu.enqueue_dma source(%dma_start3A_115 : memref<128xi32, #tpu.memory_space<hbm>>) target(%dma_start3A_113 : memref<128xi32, #tpu.memory_space<vmem>>) target_semaphore(%dma_start3A_110 : memref<!tpu.dma_semaphore, #tpu.memory_space<semaphore_mem>>)
    %rem3A_116 = arith.constant 0 : i32
    %rem3A_117 = arith.constant 4 : i32
    %rem3A_118 = arith.remsi %rem3A_116, %rem3A_117 : i32
    %add3A_119 = arith.constant 0 : i32
    %add3A_120 = arith.addi %add3A, %add3A_119 : i32
    %mul3A_121 = arith.constant 128 : i32
    %mul3A_122 = arith.muli %add3A_120, %mul3A_121 : i32
    %dma_wait3A = arith.constant 1 : i32
    %dma_wait3A_123 = arith.constant 0 : i32
    %dma_wait3A_124 = tpu.memref_slice %arg9[%rem3A_118, %dma_wait3A_123] : memref<4x128xi32, #tpu.memory_space<vmem>> -> memref<1x128xi32, #tpu.memory_space<vmem>>
    %dma_wait3A_125 = tpu.memref_squeeze %dma_wait3A_124 : memref<1x128xi32, #tpu.memory_space<vmem>> -> memref<128xi32, #tpu.memory_space<vmem>>
    %dma_wait3A_126 = tpu.memref_slice %arg3[%dma_wait3A, %mul3A_122] : memref<2x320000xi32, #tpu.memory_space<hbm>> -> memref<1x128xi32, #tpu.memory_space<hbm>>
    %dma_wait3A_127 = tpu.memref_squeeze %dma_wait3A_126 : memref<1x128xi32, #tpu.memory_space<hbm>> -> memref<128xi32, #tpu.memory_space<hbm>>
    %dma_wait3A_128 = tpu.memref_slice %arg15[%rem3A_118] : memref<4x!tpu.dma_semaphore, #tpu.memory_space<semaphore_mem>> -> memref<1x!tpu.dma_semaphore, #tpu.memory_space<semaphore_mem>>
    %dma_wait3A_129 = tpu.memref_squeeze %dma_wait3A_128 : memref<1x!tpu.dma_semaphore, #tpu.memory_space<semaphore_mem>> -> memref<!tpu.dma_semaphore, #tpu.memory_space<semaphore_mem>>
    %dma_wait3A_130 = arith.constant 0 : i32
    %dma_wait3A_131 = tpu.memref_slice %arg9[%rem3A_118, %dma_wait3A_130] : memref<4x128xi32, #tpu.memory_space<vmem>> -> memref<1x128xi32, #tpu.memory_space<vmem>>
    %dma_wait3A_132 = tpu.memref_squeeze %dma_wait3A_131 : memref<1x128xi32, #tpu.memory_space<vmem>> -> memref<128xi32, #tpu.memory_space<vmem>>
    %dma_wait3A_133 = tpu.memref_slice %arg3[%dma_wait3A, %mul3A_122] : memref<2x320000xi32, #tpu.memory_space<hbm>> -> memref<1x128xi32, #tpu.memory_space<hbm>>
    %dma_wait3A_134 = tpu.memref_squeeze %dma_wait3A_133 : memref<1x128xi32, #tpu.memory_space<hbm>> -> memref<128xi32, #tpu.memory_space<hbm>>
    tpu.wait_dma2 semaphore(%dma_wait3A_129 : memref<!tpu.dma_semaphore, #tpu.memory_space<semaphore_mem>>) src(%dma_wait3A_134 : memref<128xi32, #tpu.memory_space<hbm>>) dst(%dma_wait3A_132 : memref<128xi32, #tpu.memory_space<vmem>>)
    %rem3A_135 = arith.constant 0 : i32
    %rem3A_136 = arith.constant 4 : i32
    %rem3A_137 = arith.remsi %rem3A_135, %rem3A_136 : i32
    %dma_start3A_138 = arith.constant 0 : i32
    %dma_start3A_139 = arith.constant 0 : i32
    %dma_start3A_140 = arith.constant 0 : i32
    %dma_start3A_141 = arith.constant 0 : i32
    %dma_start3A_142 = tpu.memref_slice %arg10[%dma_start3A_138, %dma_start3A_140, %dma_start3A_141] : memref<3x128x128xf32, #tpu.memory_space<vmem>> -> memref<1x128x128xf32, #tpu.memory_space<vmem>>
    %dma_start3A_143 = tpu.memref_squeeze %dma_start3A_142 : memref<1x128x128xf32, #tpu.memory_space<vmem>> -> memref<128x128xf32, #tpu.memory_space<vmem>>
    %dma_start3A_144 = arith.constant 0 : i32
    %dma_start3A_145 = tpu.memref_slice %arg9[%rem3A_137, %dma_start3A_144] : memref<4x128xi32, #tpu.memory_space<vmem>> -> memref<1x128xi32, #tpu.memory_space<vmem>>
    %dma_start3A_146 = tpu.memref_squeeze %dma_start3A_145 : memref<1x128xi32, #tpu.memory_space<vmem>> -> memref<128xi32, #tpu.memory_space<vmem>>
    %dma_start3A_147 = arith.constant 0 : i32
    %dma_start3A_148 = arith.constant 0 : i32
    %dma_start3A_149 = tpu.memref_slice %arg2[%dma_start3A_147, %dma_start3A_148] : memref<10000x128xf32, #tpu.memory_space<hbm>> -> memref<10000x128xf32, #tpu.memory_space<hbm>>
    %dma_start3A_150 = tpu.memref_slice %arg16[%dma_start3A_139] : memref<3x!tpu.dma_semaphore, #tpu.memory_space<semaphore_mem>> -> memref<1x!tpu.dma_semaphore, #tpu.memory_space<semaphore_mem>>
    %dma_start3A_151 = tpu.memref_squeeze %dma_start3A_150 : memref<1x!tpu.dma_semaphore, #tpu.memory_space<semaphore_mem>> -> memref<!tpu.dma_semaphore, #tpu.memory_space<semaphore_mem>>
    tpu.enqueue_indirect_dma source(%dma_start3A_149 : memref<10000x128xf32, #tpu.memory_space<hbm>>) target(%dma_start3A_143 : memref<128x128xf32, #tpu.memory_space<vmem>>) offsets(%dma_start3A_146 : memref<128xi32, #tpu.memory_space<vmem>>) semaphore(%dma_start3A_151 : memref<!tpu.dma_semaphore, #tpu.memory_space<semaphore_mem>>)
    %rem3A_152 = arith.constant 1 : i32
    %rem3A_153 = arith.constant 4 : i32
    %rem3A_154 = arith.remsi %rem3A_152, %rem3A_153 : i32
    %add3A_155 = arith.constant 32 : i32
    %add3A_156 = arith.addi %add3A, %add3A_155 : i32
    %mul3A_157 = arith.constant 128 : i32
    %mul3A_158 = arith.muli %add3A_156, %mul3A_157 : i32
    %dma_wait3A_159 = arith.constant 1 : i32
    %dma_wait3A_160 = arith.constant 0 : i32
    %dma_wait3A_161 = tpu.memref_slice %arg9[%rem3A_154, %dma_wait3A_160] : memref<4x128xi32, #tpu.memory_space<vmem>> -> memref<1x128xi32, #tpu.memory_space<vmem>>
    %dma_wait3A_162 = tpu.memref_squeeze %dma_wait3A_161 : memref<1x128xi32, #tpu.memory_space<vmem>> -> memref<128xi32, #tpu.memory_space<vmem>>
    %dma_wait3A_163 = tpu.memref_slice %arg3[%dma_wait3A_159, %mul3A_158] : memref<2x320000xi32, #tpu.memory_space<hbm>> -> memref<1x128xi32, #tpu.memory_space<hbm>>
    %dma_wait3A_164 = tpu.memref_squeeze %dma_wait3A_163 : memref<1x128xi32, #tpu.memory_space<hbm>> -> memref<128xi32, #tpu.memory_space<hbm>>
    %dma_wait3A_165 = tpu.memref_slice %arg15[%rem3A_154] : memref<4x!tpu.dma_semaphore, #tpu.memory_space<semaphore_mem>> -> memref<1x!tpu.dma_semaphore, #tpu.memory_space<semaphore_mem>>
    %dma_wait3A_166 = tpu.memref_squeeze %dma_wait3A_165 : memref<1x!tpu.dma_semaphore, #tpu.memory_space<semaphore_mem>> -> memref<!tpu.dma_semaphore, #tpu.memory_space<semaphore_mem>>
    %dma_wait3A_167 = arith.constant 0 : i32
    %dma_wait3A_168 = tpu.memref_slice %arg9[%rem3A_154, %dma_wait3A_167] : memref<4x128xi32, #tpu.memory_space<vmem>> -> memref<1x128xi32, #tpu.memory_space<vmem>>
    %dma_wait3A_169 = tpu.memref_squeeze %dma_wait3A_168 : memref<1x128xi32, #tpu.memory_space<vmem>> -> memref<128xi32, #tpu.memory_space<vmem>>
    %dma_wait3A_170 = tpu.memref_slice %arg3[%dma_wait3A_159, %mul3A_158] : memref<2x320000xi32, #tpu.memory_space<hbm>> -> memref<1x128xi32, #tpu.memory_space<hbm>>
    %dma_wait3A_171 = tpu.memref_squeeze %dma_wait3A_170 : memref<1x128xi32, #tpu.memory_space<hbm>> -> memref<128xi32, #tpu.memory_space<hbm>>
    tpu.wait_dma2 semaphore(%dma_wait3A_166 : memref<!tpu.dma_semaphore, #tpu.memory_space<semaphore_mem>>) src(%dma_wait3A_171 : memref<128xi32, #tpu.memory_space<hbm>>) dst(%dma_wait3A_169 : memref<128xi32, #tpu.memory_space<vmem>>)
    %rem3A_172 = arith.constant 1 : i32
    %rem3A_173 = arith.constant 4 : i32
    %rem3A_174 = arith.remsi %rem3A_172, %rem3A_173 : i32
    %dma_start3A_175 = arith.constant 1 : i32
    %dma_start3A_176 = arith.constant 1 : i32
    %dma_start3A_177 = arith.constant 0 : i32
    %dma_start3A_178 = arith.constant 0 : i32
    %dma_start3A_179 = tpu.memref_slice %arg10[%dma_start3A_175, %dma_start3A_177, %dma_start3A_178] : memref<3x128x128xf32, #tpu.memory_space<vmem>> -> memref<1x128x128xf32, #tpu.memory_space<vmem>>
    %dma_start3A_180 = tpu.memref_squeeze %dma_start3A_179 : memref<1x128x128xf32, #tpu.memory_space<vmem>> -> memref<128x128xf32, #tpu.memory_space<vmem>>
    %dma_start3A_181 = arith.constant 0 : i32
    %dma_start3A_182 = tpu.memref_slice %arg9[%rem3A_174, %dma_start3A_181] : memref<4x128xi32, #tpu.memory_space<vmem>> -> memref<1x128xi32, #tpu.memory_space<vmem>>
    %dma_start3A_183 = tpu.memref_squeeze %dma_start3A_182 : memref<1x128xi32, #tpu.memory_space<vmem>> -> memref<128xi32, #tpu.memory_space<vmem>>
    %dma_start3A_184 = arith.constant 0 : i32
    %dma_start3A_185 = arith.constant 0 : i32
    %dma_start3A_186 = tpu.memref_slice %arg2[%dma_start3A_184, %dma_start3A_185] : memref<10000x128xf32, #tpu.memory_space<hbm>> -> memref<10000x128xf32, #tpu.memory_space<hbm>>
    %dma_start3A_187 = tpu.memref_slice %arg16[%dma_start3A_176] : memref<3x!tpu.dma_semaphore, #tpu.memory_space<semaphore_mem>> -> memref<1x!tpu.dma_semaphore, #tpu.memory_space<semaphore_mem>>
    %dma_start3A_188 = tpu.memref_squeeze %dma_start3A_187 : memref<1x!tpu.dma_semaphore, #tpu.memory_space<semaphore_mem>> -> memref<!tpu.dma_semaphore, #tpu.memory_space<semaphore_mem>>
    tpu.enqueue_indirect_dma source(%dma_start3A_186 : memref<10000x128xf32, #tpu.memory_space<hbm>>) target(%dma_start3A_180 : memref<128x128xf32, #tpu.memory_space<vmem>>) offsets(%dma_start3A_183 : memref<128xi32, #tpu.memory_space<vmem>>) semaphore(%dma_start3A_188 : memref<!tpu.dma_semaphore, #tpu.memory_space<semaphore_mem>>)
    %while3A = arith.constant 0 : i32
    %while3A_189 = arith.constant 0 : i32
    %while3A_190 = arith.subi %select_n3A_4, %while3A : i32
    %while3A_191 = arith.addi %while3A, %while3A_190 : i32
    %while3A_192 = arith.constant 1 : i32
    %while3A_193 = arith.divsi %while3A_190, %while3A_192 : i32
    %while3A_194 = arith.muli %while3A_193, %while3A_192 : i32
    %while3A_195 = arith.addi %while3A, %while3A_194 : i32
    %while3A_196 = arith.constant 1 : i32
    %while3A_197 = scf.for %while3A_237 = %while3A to %while3A_195 step %while3A_196 iter_args(%while3A_238 = %while3A_189) -> (i32)  : i32 {
      %rem3A_239 = arith.constant 3 : i32
      %rem3A_240 = arith.remsi %while3A_237, %rem3A_239 : i32
      %add3A_241 = arith.constant 2 : i32
      %add3A_242 = arith.addi %while3A_237, %add3A_241 : i32
      %rem3A_243 = arith.constant 3 : i32
      %rem3A_244 = arith.remsi %add3A_242, %rem3A_243 : i32
      %ge3A = arith.constant 1 : i32
      %ge3A_245 = arith.cmpi sge, %while3A_237, %ge3A : i32
      %convert_element_type3A_246 = arith.extui %ge3A_245 : i1 to i32
      %cond3A_247 = arith.constant 0 : i32
      %cond3A_248 = arith.cmpi ne, %convert_element_type3A_246, %cond3A_247 : i32
      scf.if %cond3A_248 {
        %sub3A_323 = arith.constant 1 : i32
        %sub3A_324 = arith.subi %while3A_237, %sub3A_323 : i32
        %rem3A_325 = arith.constant 3 : i32
        %rem3A_326 = arith.remsi %sub3A_324, %rem3A_325 : i32
        %dma_wait3A_327 = arith.constant 0 : i32
        %dma_wait3A_328 = arith.constant 0 : i32
        %dma_wait3A_329 = tpu.memref_slice %arg10[%rem3A_244, %dma_wait3A_327, %dma_wait3A_328] : memref<3x128x128xf32, #tpu.memory_space<vmem>> -> memref<1x128x128xf32, #tpu.memory_space<vmem>>
        %dma_wait3A_330 = tpu.memref_squeeze %dma_wait3A_329 : memref<1x128x128xf32, #tpu.memory_space<vmem>> -> memref<128x128xf32, #tpu.memory_space<vmem>>
        %dma_wait3A_331 = arith.constant 0 : i32
        %dma_wait3A_332 = tpu.memref_slice %arg8[%rem3A_326, %dma_wait3A_331] : memref<3x128xi32, #tpu.memory_space<vmem>> -> memref<1x128xi32, #tpu.memory_space<vmem>>
        %dma_wait3A_333 = tpu.memref_squeeze %dma_wait3A_332 : memref<1x128xi32, #tpu.memory_space<vmem>> -> memref<128xi32, #tpu.memory_space<vmem>>
        %dma_wait3A_334 = arith.constant 0 : i32
        %dma_wait3A_335 = arith.constant 0 : i32
        %dma_wait3A_336 = tpu.memref_slice %arg12[%dma_wait3A_334, %dma_wait3A_335] : memref<10000x128xf32, #tpu.memory_space<vmem_shared>> -> memref<10000x128xf32, #tpu.memory_space<vmem_shared>>
        %dma_wait3A_337 = tpu.memref_slice %arg17[%rem3A_244] : memref<3x!tpu.dma_semaphore, #tpu.memory_space<semaphore_mem>> -> memref<1x!tpu.dma_semaphore, #tpu.memory_space<semaphore_mem>>
        %dma_wait3A_338 = tpu.memref_squeeze %dma_wait3A_337 : memref<1x!tpu.dma_semaphore, #tpu.memory_space<semaphore_mem>> -> memref<!tpu.dma_semaphore, #tpu.memory_space<semaphore_mem>>
        tpu.wait_indirect_dma semaphore(%dma_wait3A_338 : memref<!tpu.dma_semaphore, #tpu.memory_space<semaphore_mem>>) src(%dma_wait3A_330 : memref<128x128xf32, #tpu.memory_space<vmem>>) dst(%dma_wait3A_336 : memref<10000x128xf32, #tpu.memory_space<vmem_shared>>)
        %dma_wait3A_339 = arith.constant 0 : i32
        %dma_wait3A_340 = tpu.memref_slice %arg8[%rem3A_326, %dma_wait3A_339] : memref<3x128xi32, #tpu.memory_space<vmem>> -> memref<1x128xi32, #tpu.memory_space<vmem>>
        %dma_wait3A_341 = tpu.memref_squeeze %dma_wait3A_340 : memref<1x128xi32, #tpu.memory_space<vmem>> -> memref<128xi32, #tpu.memory_space<vmem>>
        %dma_wait3A_342 = arith.constant 0 : i32
        %dma_wait3A_343 = tpu.memref_slice %arg13[%dma_wait3A_342] : memref<10112xf32, #tpu.memory_space<vmem_shared>> -> memref<10112xf32, #tpu.memory_space<vmem_shared>>
        %dma_wait3A_344 = tpu.memref_slice %arg18[%rem3A_244] : memref<3x!tpu.dma_semaphore, #tpu.memory_space<semaphore_mem>> -> memref<1x!tpu.dma_semaphore, #tpu.memory_space<semaphore_mem>>
        %dma_wait3A_345 = tpu.memref_squeeze %dma_wait3A_344 : memref<1x!tpu.dma_semaphore, #tpu.memory_space<semaphore_mem>> -> memref<!tpu.dma_semaphore, #tpu.memory_space<semaphore_mem>>
        tpu.wait_indirect_dma semaphore(%dma_wait3A_345 : memref<!tpu.dma_semaphore, #tpu.memory_space<semaphore_mem>>) src(%arg11 : memref<128xf32, #tpu.memory_space<vmem>>) dst(%dma_wait3A_343 : memref<10112xf32, #tpu.memory_space<vmem_shared>>)
      } else {
      }
      %add3A_249 = arith.constant 2 : i32
      %add3A_250 = arith.addi %while3A_237, %add3A_249 : i32
      %lt3A_251 = arith.cmpi slt, %add3A_250, %select_n3A_4 : i32
      %convert_element_type3A_252 = arith.extui %lt3A_251 : i1 to i32
      %cond3A_253 = arith.constant 0 : i32
      %cond3A_254 = arith.cmpi ne, %convert_element_type3A_252, %cond3A_253 : i32
      scf.if %cond3A_254 {
        %add3A_323 = arith.constant 2 : i32
        %add3A_324 = arith.addi %while3A_237, %add3A_323 : i32
        %rem3A_325 = arith.constant 4 : i32
        %rem3A_326 = arith.remsi %add3A_324, %rem3A_325 : i32
        %mul3A_327 = arith.constant 32 : i32
        %mul3A_328 = arith.muli %add3A_324, %mul3A_327 : i32
        %add3A_329 = arith.addi %add3A, %mul3A_328 : i32
        %mul3A_330 = arith.constant 128 : i32
        %mul3A_331 = arith.muli %add3A_329, %mul3A_330 : i32
        %dma_wait3A_332 = arith.constant 1 : i32
        %dma_wait3A_333 = arith.constant 0 : i32
        %dma_wait3A_334 = tpu.memref_slice %arg9[%rem3A_326, %dma_wait3A_333] : memref<4x128xi32, #tpu.memory_space<vmem>> -> memref<1x128xi32, #tpu.memory_space<vmem>>
        %dma_wait3A_335 = tpu.memref_squeeze %dma_wait3A_334 : memref<1x128xi32, #tpu.memory_space<vmem>> -> memref<128xi32, #tpu.memory_space<vmem>>
        %dma_wait3A_336 = tpu.memref_slice %arg3[%dma_wait3A_332, %mul3A_331] : memref<2x320000xi32, #tpu.memory_space<hbm>> -> memref<1x128xi32, #tpu.memory_space<hbm>>
        %dma_wait3A_337 = tpu.memref_squeeze %dma_wait3A_336 : memref<1x128xi32, #tpu.memory_space<hbm>> -> memref<128xi32, #tpu.memory_space<hbm>>
        %dma_wait3A_338 = tpu.memref_slice %arg15[%rem3A_326] : memref<4x!tpu.dma_semaphore, #tpu.memory_space<semaphore_mem>> -> memref<1x!tpu.dma_semaphore, #tpu.memory_space<semaphore_mem>>
        %dma_wait3A_339 = tpu.memref_squeeze %dma_wait3A_338 : memref<1x!tpu.dma_semaphore, #tpu.memory_space<semaphore_mem>> -> memref<!tpu.dma_semaphore, #tpu.memory_space<semaphore_mem>>
        %dma_wait3A_340 = arith.constant 0 : i32
        %dma_wait3A_341 = tpu.memref_slice %arg9[%rem3A_326, %dma_wait3A_340] : memref<4x128xi32, #tpu.memory_space<vmem>> -> memref<1x128xi32, #tpu.memory_space<vmem>>
        %dma_wait3A_342 = tpu.memref_squeeze %dma_wait3A_341 : memref<1x128xi32, #tpu.memory_space<vmem>> -> memref<128xi32, #tpu.memory_space<vmem>>
        %dma_wait3A_343 = tpu.memref_slice %arg3[%dma_wait3A_332, %mul3A_331] : memref<2x320000xi32, #tpu.memory_space<hbm>> -> memref<1x128xi32, #tpu.memory_space<hbm>>
        %dma_wait3A_344 = tpu.memref_squeeze %dma_wait3A_343 : memref<1x128xi32, #tpu.memory_space<hbm>> -> memref<128xi32, #tpu.memory_space<hbm>>
        tpu.wait_dma2 semaphore(%dma_wait3A_339 : memref<!tpu.dma_semaphore, #tpu.memory_space<semaphore_mem>>) src(%dma_wait3A_344 : memref<128xi32, #tpu.memory_space<hbm>>) dst(%dma_wait3A_342 : memref<128xi32, #tpu.memory_space<vmem>>)
        %add3A_345 = arith.constant 2 : i32
        %add3A_346 = arith.addi %while3A_237, %add3A_345 : i32
        %rem3A_347 = arith.constant 4 : i32
        %rem3A_348 = arith.remsi %add3A_346, %rem3A_347 : i32
        %dma_start3A_349 = arith.constant 0 : i32
        %dma_start3A_350 = arith.constant 0 : i32
        %dma_start3A_351 = tpu.memref_slice %arg10[%rem3A_244, %dma_start3A_349, %dma_start3A_350] : memref<3x128x128xf32, #tpu.memory_space<vmem>> -> memref<1x128x128xf32, #tpu.memory_space<vmem>>
        %dma_start3A_352 = tpu.memref_squeeze %dma_start3A_351 : memref<1x128x128xf32, #tpu.memory_space<vmem>> -> memref<128x128xf32, #tpu.memory_space<vmem>>
        %dma_start3A_353 = arith.constant 0 : i32
        %dma_start3A_354 = tpu.memref_slice %arg9[%rem3A_348, %dma_start3A_353] : memref<4x128xi32, #tpu.memory_space<vmem>> -> memref<1x128xi32, #tpu.memory_space<vmem>>
        %dma_start3A_355 = tpu.memref_squeeze %dma_start3A_354 : memref<1x128xi32, #tpu.memory_space<vmem>> -> memref<128xi32, #tpu.memory_space<vmem>>
        %dma_start3A_356 = arith.constant 0 : i32
        %dma_start3A_357 = arith.constant 0 : i32
        %dma_start3A_358 = tpu.memref_slice %arg2[%dma_start3A_356, %dma_start3A_357] : memref<10000x128xf32, #tpu.memory_space<hbm>> -> memref<10000x128xf32, #tpu.memory_space<hbm>>
        %dma_start3A_359 = tpu.memref_slice %arg16[%rem3A_244] : memref<3x!tpu.dma_semaphore, #tpu.memory_space<semaphore_mem>> -> memref<1x!tpu.dma_semaphore, #tpu.memory_space<semaphore_mem>>
        %dma_start3A_360 = tpu.memref_squeeze %dma_start3A_359 : memref<1x!tpu.dma_semaphore, #tpu.memory_space<semaphore_mem>> -> memref<!tpu.dma_semaphore, #tpu.memory_space<semaphore_mem>>
        tpu.enqueue_indirect_dma source(%dma_start3A_358 : memref<10000x128xf32, #tpu.memory_space<hbm>>) target(%dma_start3A_352 : memref<128x128xf32, #tpu.memory_space<vmem>>) offsets(%dma_start3A_355 : memref<128xi32, #tpu.memory_space<vmem>>) semaphore(%dma_start3A_360 : memref<!tpu.dma_semaphore, #tpu.memory_space<semaphore_mem>>)
      } else {
      }
      %rem3A_255 = arith.constant 4 : i32
      %rem3A_256 = arith.remsi %while3A_237, %rem3A_255 : i32
      %dma_wait3A_257 = arith.constant 0 : i32
      %dma_wait3A_258 = arith.constant 0 : i32
      %dma_wait3A_259 = tpu.memref_slice %arg10[%rem3A_240, %dma_wait3A_257, %dma_wait3A_258] : memref<3x128x128xf32, #tpu.memory_space<vmem>> -> memref<1x128x128xf32, #tpu.memory_space<vmem>>
      %dma_wait3A_260 = tpu.memref_squeeze %dma_wait3A_259 : memref<1x128x128xf32, #tpu.memory_space<vmem>> -> memref<128x128xf32, #tpu.memory_space<vmem>>
      %dma_wait3A_261 = arith.constant 0 : i32
      %dma_wait3A_262 = tpu.memref_slice %arg9[%rem3A_256, %dma_wait3A_261] : memref<4x128xi32, #tpu.memory_space<vmem>> -> memref<1x128xi32, #tpu.memory_space<vmem>>
      %dma_wait3A_263 = tpu.memref_squeeze %dma_wait3A_262 : memref<1x128xi32, #tpu.memory_space<vmem>> -> memref<128xi32, #tpu.memory_space<vmem>>
      %dma_wait3A_264 = arith.constant 0 : i32
      %dma_wait3A_265 = arith.constant 0 : i32
      %dma_wait3A_266 = tpu.memref_slice %arg2[%dma_wait3A_264, %dma_wait3A_265] : memref<10000x128xf32, #tpu.memory_space<hbm>> -> memref<10000x128xf32, #tpu.memory_space<hbm>>
      %dma_wait3A_267 = tpu.memref_slice %arg16[%rem3A_240] : memref<3x!tpu.dma_semaphore, #tpu.memory_space<semaphore_mem>> -> memref<1x!tpu.dma_semaphore, #tpu.memory_space<semaphore_mem>>
      %dma_wait3A_268 = tpu.memref_squeeze %dma_wait3A_267 : memref<1x!tpu.dma_semaphore, #tpu.memory_space<semaphore_mem>> -> memref<!tpu.dma_semaphore, #tpu.memory_space<semaphore_mem>>
      tpu.wait_indirect_dma semaphore(%dma_wait3A_268 : memref<!tpu.dma_semaphore, #tpu.memory_space<semaphore_mem>>) src(%dma_wait3A_266 : memref<10000x128xf32, #tpu.memory_space<hbm>>) dst(%dma_wait3A_260 : memref<128x128xf32, #tpu.memory_space<vmem>>)
      %rem3A_269 = arith.constant 3 : i32
      %rem3A_270 = arith.remsi %while3A_237, %rem3A_269 : i32
      %mul3A_271 = arith.constant 32 : i32
      %mul3A_272 = arith.muli %while3A_237, %mul3A_271 : i32
      %add3A_273 = arith.addi %add3A, %mul3A_272 : i32
      %mul3A_274 = arith.constant 128 : i32
      %mul3A_275 = arith.muli %add3A_273, %mul3A_274 : i32
      %dma_wait3A_276 = arith.constant 0 : i32
      %dma_wait3A_277 = arith.constant 0 : i32
      %dma_wait3A_278 = tpu.memref_slice %arg8[%rem3A_270, %dma_wait3A_277] : memref<3x128xi32, #tpu.memory_space<vmem>> -> memref<1x128xi32, #tpu.memory_space<vmem>>
      %dma_wait3A_279 = tpu.memref_squeeze %dma_wait3A_278 : memref<1x128xi32, #tpu.memory_space<vmem>> -> memref<128xi32, #tpu.memory_space<vmem>>
      %dma_wait3A_280 = tpu.memref_slice %arg3[%dma_wait3A_276, %mul3A_275] : memref<2x320000xi32, #tpu.memory_space<hbm>> -> memref<1x128xi32, #tpu.memory_space<hbm>>
      %dma_wait3A_281 = tpu.memref_squeeze %dma_wait3A_280 : memref<1x128xi32, #tpu.memory_space<hbm>> -> memref<128xi32, #tpu.memory_space<hbm>>
      %dma_wait3A_282 = tpu.memref_slice %arg14[%rem3A_270] : memref<3x!tpu.dma_semaphore, #tpu.memory_space<semaphore_mem>> -> memref<1x!tpu.dma_semaphore, #tpu.memory_space<semaphore_mem>>
      %dma_wait3A_283 = tpu.memref_squeeze %dma_wait3A_282 : memref<1x!tpu.dma_semaphore, #tpu.memory_space<semaphore_mem>> -> memref<!tpu.dma_semaphore, #tpu.memory_space<semaphore_mem>>
      %dma_wait3A_284 = arith.constant 0 : i32
      %dma_wait3A_285 = tpu.memref_slice %arg8[%rem3A_270, %dma_wait3A_284] : memref<3x128xi32, #tpu.memory_space<vmem>> -> memref<1x128xi32, #tpu.memory_space<vmem>>
      %dma_wait3A_286 = tpu.memref_squeeze %dma_wait3A_285 : memref<1x128xi32, #tpu.memory_space<vmem>> -> memref<128xi32, #tpu.memory_space<vmem>>
      %dma_wait3A_287 = tpu.memref_slice %arg3[%dma_wait3A_276, %mul3A_275] : memref<2x320000xi32, #tpu.memory_space<hbm>> -> memref<1x128xi32, #tpu.memory_space<hbm>>
      %dma_wait3A_288 = tpu.memref_squeeze %dma_wait3A_287 : memref<1x128xi32, #tpu.memory_space<hbm>> -> memref<128xi32, #tpu.memory_space<hbm>>
      tpu.wait_dma2 semaphore(%dma_wait3A_283 : memref<!tpu.dma_semaphore, #tpu.memory_space<semaphore_mem>>) src(%dma_wait3A_288 : memref<128xi32, #tpu.memory_space<hbm>>) dst(%dma_wait3A_286 : memref<128xi32, #tpu.memory_space<vmem>>)
      %rem3A_289 = arith.constant 3 : i32
      %rem3A_290 = arith.remsi %while3A_237, %rem3A_289 : i32
      %dma_start3A_291 = arith.constant 0 : i32
      %dma_start3A_292 = arith.constant 0 : i32
      %dma_start3A_293 = tpu.memref_slice %arg10[%rem3A_240, %dma_start3A_291, %dma_start3A_292] : memref<3x128x128xf32, #tpu.memory_space<vmem>> -> memref<1x128x128xf32, #tpu.memory_space<vmem>>
      %dma_start3A_294 = tpu.memref_squeeze %dma_start3A_293 : memref<1x128x128xf32, #tpu.memory_space<vmem>> -> memref<128x128xf32, #tpu.memory_space<vmem>>
      %dma_start3A_295 = arith.constant 0 : i32
      %dma_start3A_296 = tpu.memref_slice %arg8[%rem3A_290, %dma_start3A_295] : memref<3x128xi32, #tpu.memory_space<vmem>> -> memref<1x128xi32, #tpu.memory_space<vmem>>
      %dma_start3A_297 = tpu.memref_squeeze %dma_start3A_296 : memref<1x128xi32, #tpu.memory_space<vmem>> -> memref<128xi32, #tpu.memory_space<vmem>>
      %dma_start3A_298 = arith.constant 0 : i32
      %dma_start3A_299 = arith.constant 0 : i32
      %dma_start3A_300 = tpu.memref_slice %arg12[%dma_start3A_298, %dma_start3A_299] : memref<10000x128xf32, #tpu.memory_space<vmem_shared>> -> memref<10000x128xf32, #tpu.memory_space<vmem_shared>>
      %dma_start3A_301 = tpu.memref_slice %arg17[%rem3A_240] : memref<3x!tpu.dma_semaphore, #tpu.memory_space<semaphore_mem>> -> memref<1x!tpu.dma_semaphore, #tpu.memory_space<semaphore_mem>>
      %dma_start3A_302 = tpu.memref_squeeze %dma_start3A_301 : memref<1x!tpu.dma_semaphore, #tpu.memory_space<semaphore_mem>> -> memref<!tpu.dma_semaphore, #tpu.memory_space<semaphore_mem>>
      tpu.enqueue_indirect_dma source(%dma_start3A_294 : memref<128x128xf32, #tpu.memory_space<vmem>>) target(%dma_start3A_300 : memref<10000x128xf32, #tpu.memory_space<vmem_shared>>) offsets(%dma_start3A_297 : memref<128xi32, #tpu.memory_space<vmem>>) semaphore(%dma_start3A_302 : memref<!tpu.dma_semaphore, #tpu.memory_space<semaphore_mem>>) {add = true}
      %dma_start3A_303 = arith.constant 0 : i32
      %dma_start3A_304 = tpu.memref_slice %arg8[%rem3A_290, %dma_start3A_303] : memref<3x128xi32, #tpu.memory_space<vmem>> -> memref<1x128xi32, #tpu.memory_space<vmem>>
      %dma_start3A_305 = tpu.memref_squeeze %dma_start3A_304 : memref<1x128xi32, #tpu.memory_space<vmem>> -> memref<128xi32, #tpu.memory_space<vmem>>
      %dma_start3A_306 = arith.constant 0 : i32
      %dma_start3A_307 = tpu.memref_slice %arg13[%dma_start3A_306] : memref<10112xf32, #tpu.memory_space<vmem_shared>> -> memref<10112xf32, #tpu.memory_space<vmem_shared>>
      %dma_start3A_308 = tpu.memref_slice %arg18[%rem3A_240] : memref<3x!tpu.dma_semaphore, #tpu.memory_space<semaphore_mem>> -> memref<1x!tpu.dma_semaphore, #tpu.memory_space<semaphore_mem>>
      %dma_start3A_309 = tpu.memref_squeeze %dma_start3A_308 : memref<1x!tpu.dma_semaphore, #tpu.memory_space<semaphore_mem>> -> memref<!tpu.dma_semaphore, #tpu.memory_space<semaphore_mem>>
      tpu.enqueue_indirect_dma source(%arg11 : memref<128xf32, #tpu.memory_space<vmem>>) target(%dma_start3A_307 : memref<10112xf32, #tpu.memory_space<vmem_shared>>) offsets(%dma_start3A_305 : memref<128xi32, #tpu.memory_space<vmem>>) semaphore(%dma_start3A_309 : memref<!tpu.dma_semaphore, #tpu.memory_space<semaphore_mem>>) {add = true}
      %add3A_310 = arith.constant 2 : i32
      %add3A_311 = arith.addi %while3A_237, %add3A_310 : i32
      %lt3A_312 = arith.cmpi slt, %add3A_311, %select_n3A_4 : i32
      %convert_element_type3A_313 = arith.extui %lt3A_312 : i1 to i32
      %cond3A_314 = arith.constant 0 : i32
      %cond3A_315 = arith.cmpi ne, %convert_element_type3A_313, %cond3A_314 : i32
      scf.if %cond3A_315 {
        %add3A_323 = arith.constant 2 : i32
        %add3A_324 = arith.addi %while3A_237, %add3A_323 : i32
        %rem3A_325 = arith.constant 3 : i32
        %rem3A_326 = arith.remsi %add3A_324, %rem3A_325 : i32
        %mul3A_327 = arith.constant 32 : i32
        %mul3A_328 = arith.muli %add3A_324, %mul3A_327 : i32
        %add3A_329 = arith.addi %add3A, %mul3A_328 : i32
        %mul3A_330 = arith.constant 128 : i32
        %mul3A_331 = arith.muli %add3A_329, %mul3A_330 : i32
        %dma_start3A_332 = arith.constant 0 : i32
        %dma_start3A_333 = arith.constant 0 : i32
        %dma_start3A_334 = tpu.memref_slice %arg8[%rem3A_326, %dma_start3A_333] : memref<3x128xi32, #tpu.memory_space<vmem>> -> memref<1x128xi32, #tpu.memory_space<vmem>>
        %dma_start3A_335 = tpu.memref_squeeze %dma_start3A_334 : memref<1x128xi32, #tpu.memory_space<vmem>> -> memref<128xi32, #tpu.memory_space<vmem>>
        %dma_start3A_336 = tpu.memref_slice %arg3[%dma_start3A_332, %mul3A_331] : memref<2x320000xi32, #tpu.memory_space<hbm>> -> memref<1x128xi32, #tpu.memory_space<hbm>>
        %dma_start3A_337 = tpu.memref_squeeze %dma_start3A_336 : memref<1x128xi32, #tpu.memory_space<hbm>> -> memref<128xi32, #tpu.memory_space<hbm>>
        %dma_start3A_338 = tpu.memref_slice %arg14[%rem3A_326] : memref<3x!tpu.dma_semaphore, #tpu.memory_space<semaphore_mem>> -> memref<1x!tpu.dma_semaphore, #tpu.memory_space<semaphore_mem>>
        %dma_start3A_339 = tpu.memref_squeeze %dma_start3A_338 : memref<1x!tpu.dma_semaphore, #tpu.memory_space<semaphore_mem>> -> memref<!tpu.dma_semaphore, #tpu.memory_space<semaphore_mem>>
        %dma_start3A_340 = arith.constant 0 : i32
        %dma_start3A_341 = tpu.memref_slice %arg8[%rem3A_326, %dma_start3A_340] : memref<3x128xi32, #tpu.memory_space<vmem>> -> memref<1x128xi32, #tpu.memory_space<vmem>>
        %dma_start3A_342 = tpu.memref_squeeze %dma_start3A_341 : memref<1x128xi32, #tpu.memory_space<vmem>> -> memref<128xi32, #tpu.memory_space<vmem>>
        %dma_start3A_343 = tpu.memref_slice %arg3[%dma_start3A_332, %mul3A_331] : memref<2x320000xi32, #tpu.memory_space<hbm>> -> memref<1x128xi32, #tpu.memory_space<hbm>>
        %dma_start3A_344 = tpu.memref_squeeze %dma_start3A_343 : memref<1x128xi32, #tpu.memory_space<hbm>> -> memref<128xi32, #tpu.memory_space<hbm>>
        tpu.enqueue_dma source(%dma_start3A_344 : memref<128xi32, #tpu.memory_space<hbm>>) target(%dma_start3A_342 : memref<128xi32, #tpu.memory_space<vmem>>) target_semaphore(%dma_start3A_339 : memref<!tpu.dma_semaphore, #tpu.memory_space<semaphore_mem>>)
      } else {
      }
      %add3A_316 = arith.constant 3 : i32
      %add3A_317 = arith.addi %while3A_237, %add3A_316 : i32
      %lt3A_318 = arith.cmpi slt, %add3A_317, %select_n3A_4 : i32
      %convert_element_type3A_319 = arith.extui %lt3A_318 : i1 to i32
      %cond3A_320 = arith.constant 0 : i32
      %cond3A_321 = arith.cmpi ne, %convert_element_type3A_319, %cond3A_320 : i32
      scf.if %cond3A_321 {
        %add3A_323 = arith.constant 3 : i32
        %add3A_324 = arith.addi %while3A_237, %add3A_323 : i32
        %rem3A_325 = arith.constant 4 : i32
        %rem3A_326 = arith.remsi %add3A_324, %rem3A_325 : i32
        %mul3A_327 = arith.constant 32 : i32
        %mul3A_328 = arith.muli %add3A_324, %mul3A_327 : i32
        %add3A_329 = arith.addi %add3A, %mul3A_328 : i32
        %mul3A_330 = arith.constant 128 : i32
        %mul3A_331 = arith.muli %add3A_329, %mul3A_330 : i32
        %dma_start3A_332 = arith.constant 1 : i32
        %dma_start3A_333 = arith.constant 0 : i32
        %dma_start3A_334 = tpu.memref_slice %arg9[%rem3A_326, %dma_start3A_333] : memref<4x128xi32, #tpu.memory_space<vmem>> -> memref<1x128xi32, #tpu.memory_space<vmem>>
        %dma_start3A_335 = tpu.memref_squeeze %dma_start3A_334 : memref<1x128xi32, #tpu.memory_space<vmem>> -> memref<128xi32, #tpu.memory_space<vmem>>
        %dma_start3A_336 = tpu.memref_slice %arg3[%dma_start3A_332, %mul3A_331] : memref<2x320000xi32, #tpu.memory_space<hbm>> -> memref<1x128xi32, #tpu.memory_space<hbm>>
        %dma_start3A_337 = tpu.memref_squeeze %dma_start3A_336 : memref<1x128xi32, #tpu.memory_space<hbm>> -> memref<128xi32, #tpu.memory_space<hbm>>
        %dma_start3A_338 = tpu.memref_slice %arg15[%rem3A_326] : memref<4x!tpu.dma_semaphore, #tpu.memory_space<semaphore_mem>> -> memref<1x!tpu.dma_semaphore, #tpu.memory_space<semaphore_mem>>
        %dma_start3A_339 = tpu.memref_squeeze %dma_start3A_338 : memref<1x!tpu.dma_semaphore, #tpu.memory_space<semaphore_mem>> -> memref<!tpu.dma_semaphore, #tpu.memory_space<semaphore_mem>>
        %dma_start3A_340 = arith.constant 0 : i32
        %dma_start3A_341 = tpu.memref_slice %arg9[%rem3A_326, %dma_start3A_340] : memref<4x128xi32, #tpu.memory_space<vmem>> -> memref<1x128xi32, #tpu.memory_space<vmem>>
        %dma_start3A_342 = tpu.memref_squeeze %dma_start3A_341 : memref<1x128xi32, #tpu.memory_space<vmem>> -> memref<128xi32, #tpu.memory_space<vmem>>
        %dma_start3A_343 = tpu.memref_slice %arg3[%dma_start3A_332, %mul3A_331] : memref<2x320000xi32, #tpu.memory_space<hbm>> -> memref<1x128xi32, #tpu.memory_space<hbm>>
        %dma_start3A_344 = tpu.memref_squeeze %dma_start3A_343 : memref<1x128xi32, #tpu.memory_space<hbm>> -> memref<128xi32, #tpu.memory_space<hbm>>
        tpu.enqueue_dma source(%dma_start3A_344 : memref<128xi32, #tpu.memory_space<hbm>>) target(%dma_start3A_342 : memref<128xi32, #tpu.memory_space<vmem>>) target_semaphore(%dma_start3A_339 : memref<!tpu.dma_semaphore, #tpu.memory_space<semaphore_mem>>)
      } else {
      }
      %while3A_322 = arith.constant 0 : i32
      scf.yield %while3A_322 : i32
    }
    %while3A_198 = arith.constant 1 : i32
    %while3A_199 = scf.for %while3A_237 = %while3A_195 to %while3A_191 step %while3A_198 iter_args(%while3A_238 = %while3A_197) -> (i32)  : i32 {
      %rem3A_239 = arith.constant 3 : i32
      %rem3A_240 = arith.remsi %while3A_237, %rem3A_239 : i32
      %add3A_241 = arith.constant 2 : i32
      %add3A_242 = arith.addi %while3A_237, %add3A_241 : i32
      %rem3A_243 = arith.constant 3 : i32
      %rem3A_244 = arith.remsi %add3A_242, %rem3A_243 : i32
      %ge3A = arith.constant 1 : i32
      %ge3A_245 = arith.cmpi sge, %while3A_237, %ge3A : i32
      %convert_element_type3A_246 = arith.extui %ge3A_245 : i1 to i32
      %cond3A_247 = arith.constant 0 : i32
      %cond3A_248 = arith.cmpi ne, %convert_element_type3A_246, %cond3A_247 : i32
      scf.if %cond3A_248 {
        %sub3A_323 = arith.constant 1 : i32
        %sub3A_324 = arith.subi %while3A_237, %sub3A_323 : i32
        %rem3A_325 = arith.constant 3 : i32
        %rem3A_326 = arith.remsi %sub3A_324, %rem3A_325 : i32
        %dma_wait3A_327 = arith.constant 0 : i32
        %dma_wait3A_328 = arith.constant 0 : i32
        %dma_wait3A_329 = tpu.memref_slice %arg10[%rem3A_244, %dma_wait3A_327, %dma_wait3A_328] : memref<3x128x128xf32, #tpu.memory_space<vmem>> -> memref<1x128x128xf32, #tpu.memory_space<vmem>>
        %dma_wait3A_330 = tpu.memref_squeeze %dma_wait3A_329 : memref<1x128x128xf32, #tpu.memory_space<vmem>> -> memref<128x128xf32, #tpu.memory_space<vmem>>
        %dma_wait3A_331 = arith.constant 0 : i32
        %dma_wait3A_332 = tpu.memref_slice %arg8[%rem3A_326, %dma_wait3A_331] : memref<3x128xi32, #tpu.memory_space<vmem>> -> memref<1x128xi32, #tpu.memory_space<vmem>>
        %dma_wait3A_333 = tpu.memref_squeeze %dma_wait3A_332 : memref<1x128xi32, #tpu.memory_space<vmem>> -> memref<128xi32, #tpu.memory_space<vmem>>
        %dma_wait3A_334 = arith.constant 0 : i32
        %dma_wait3A_335 = arith.constant 0 : i32
        %dma_wait3A_336 = tpu.memref_slice %arg12[%dma_wait3A_334, %dma_wait3A_335] : memref<10000x128xf32, #tpu.memory_space<vmem_shared>> -> memref<10000x128xf32, #tpu.memory_space<vmem_shared>>
        %dma_wait3A_337 = tpu.memref_slice %arg17[%rem3A_244] : memref<3x!tpu.dma_semaphore, #tpu.memory_space<semaphore_mem>> -> memref<1x!tpu.dma_semaphore, #tpu.memory_space<semaphore_mem>>
        %dma_wait3A_338 = tpu.memref_squeeze %dma_wait3A_337 : memref<1x!tpu.dma_semaphore, #tpu.memory_space<semaphore_mem>> -> memref<!tpu.dma_semaphore, #tpu.memory_space<semaphore_mem>>
        tpu.wait_indirect_dma semaphore(%dma_wait3A_338 : memref<!tpu.dma_semaphore, #tpu.memory_space<semaphore_mem>>) src(%dma_wait3A_330 : memref<128x128xf32, #tpu.memory_space<vmem>>) dst(%dma_wait3A_336 : memref<10000x128xf32, #tpu.memory_space<vmem_shared>>)
        %dma_wait3A_339 = arith.constant 0 : i32
        %dma_wait3A_340 = tpu.memref_slice %arg8[%rem3A_326, %dma_wait3A_339] : memref<3x128xi32, #tpu.memory_space<vmem>> -> memref<1x128xi32, #tpu.memory_space<vmem>>
        %dma_wait3A_341 = tpu.memref_squeeze %dma_wait3A_340 : memref<1x128xi32, #tpu.memory_space<vmem>> -> memref<128xi32, #tpu.memory_space<vmem>>
        %dma_wait3A_342 = arith.constant 0 : i32
        %dma_wait3A_343 = tpu.memref_slice %arg13[%dma_wait3A_342] : memref<10112xf32, #tpu.memory_space<vmem_shared>> -> memref<10112xf32, #tpu.memory_space<vmem_shared>>
        %dma_wait3A_344 = tpu.memref_slice %arg18[%rem3A_244] : memref<3x!tpu.dma_semaphore, #tpu.memory_space<semaphore_mem>> -> memref<1x!tpu.dma_semaphore, #tpu.memory_space<semaphore_mem>>
        %dma_wait3A_345 = tpu.memref_squeeze %dma_wait3A_344 : memref<1x!tpu.dma_semaphore, #tpu.memory_space<semaphore_mem>> -> memref<!tpu.dma_semaphore, #tpu.memory_space<semaphore_mem>>
        tpu.wait_indirect_dma semaphore(%dma_wait3A_345 : memref<!tpu.dma_semaphore, #tpu.memory_space<semaphore_mem>>) src(%arg11 : memref<128xf32, #tpu.memory_space<vmem>>) dst(%dma_wait3A_343 : memref<10112xf32, #tpu.memory_space<vmem_shared>>)
      } else {
      }
      %add3A_249 = arith.constant 2 : i32
      %add3A_250 = arith.addi %while3A_237, %add3A_249 : i32
      %lt3A_251 = arith.cmpi slt, %add3A_250, %select_n3A_4 : i32
      %convert_element_type3A_252 = arith.extui %lt3A_251 : i1 to i32
      %cond3A_253 = arith.constant 0 : i32
      %cond3A_254 = arith.cmpi ne, %convert_element_type3A_252, %cond3A_253 : i32
      scf.if %cond3A_254 {
        %add3A_323 = arith.constant 2 : i32
        %add3A_324 = arith.addi %while3A_237, %add3A_323 : i32
        %rem3A_325 = arith.constant 4 : i32
        %rem3A_326 = arith.remsi %add3A_324, %rem3A_325 : i32
        %mul3A_327 = arith.constant 32 : i32
        %mul3A_328 = arith.muli %add3A_324, %mul3A_327 : i32
        %add3A_329 = arith.addi %add3A, %mul3A_328 : i32
        %mul3A_330 = arith.constant 128 : i32
        %mul3A_331 = arith.muli %add3A_329, %mul3A_330 : i32
        %dma_wait3A_332 = arith.constant 1 : i32
        %dma_wait3A_333 = arith.constant 0 : i32
        %dma_wait3A_334 = tpu.memref_slice %arg9[%rem3A_326, %dma_wait3A_333] : memref<4x128xi32, #tpu.memory_space<vmem>> -> memref<1x128xi32, #tpu.memory_space<vmem>>
        %dma_wait3A_335 = tpu.memref_squeeze %dma_wait3A_334 : memref<1x128xi32, #tpu.memory_space<vmem>> -> memref<128xi32, #tpu.memory_space<vmem>>
        %dma_wait3A_336 = tpu.memref_slice %arg3[%dma_wait3A_332, %mul3A_331] : memref<2x320000xi32, #tpu.memory_space<hbm>> -> memref<1x128xi32, #tpu.memory_space<hbm>>
        %dma_wait3A_337 = tpu.memref_squeeze %dma_wait3A_336 : memref<1x128xi32, #tpu.memory_space<hbm>> -> memref<128xi32, #tpu.memory_space<hbm>>
        %dma_wait3A_338 = tpu.memref_slice %arg15[%rem3A_326] : memref<4x!tpu.dma_semaphore, #tpu.memory_space<semaphore_mem>> -> memref<1x!tpu.dma_semaphore, #tpu.memory_space<semaphore_mem>>
        %dma_wait3A_339 = tpu.memref_squeeze %dma_wait3A_338 : memref<1x!tpu.dma_semaphore, #tpu.memory_space<semaphore_mem>> -> memref<!tpu.dma_semaphore, #tpu.memory_space<semaphore_mem>>
        %dma_wait3A_340 = arith.constant 0 : i32
        %dma_wait3A_341 = tpu.memref_slice %arg9[%rem3A_326, %dma_wait3A_340] : memref<4x128xi32, #tpu.memory_space<vmem>> -> memref<1x128xi32, #tpu.memory_space<vmem>>
        %dma_wait3A_342 = tpu.memref_squeeze %dma_wait3A_341 : memref<1x128xi32, #tpu.memory_space<vmem>> -> memref<128xi32, #tpu.memory_space<vmem>>
        %dma_wait3A_343 = tpu.memref_slice %arg3[%dma_wait3A_332, %mul3A_331] : memref<2x320000xi32, #tpu.memory_space<hbm>> -> memref<1x128xi32, #tpu.memory_space<hbm>>
        %dma_wait3A_344 = tpu.memref_squeeze %dma_wait3A_343 : memref<1x128xi32, #tpu.memory_space<hbm>> -> memref<128xi32, #tpu.memory_space<hbm>>
        tpu.wait_dma2 semaphore(%dma_wait3A_339 : memref<!tpu.dma_semaphore, #tpu.memory_space<semaphore_mem>>) src(%dma_wait3A_344 : memref<128xi32, #tpu.memory_space<hbm>>) dst(%dma_wait3A_342 : memref<128xi32, #tpu.memory_space<vmem>>)
        %add3A_345 = arith.constant 2 : i32
        %add3A_346 = arith.addi %while3A_237, %add3A_345 : i32
        %rem3A_347 = arith.constant 4 : i32
        %rem3A_348 = arith.remsi %add3A_346, %rem3A_347 : i32
        %dma_start3A_349 = arith.constant 0 : i32
        %dma_start3A_350 = arith.constant 0 : i32
        %dma_start3A_351 = tpu.memref_slice %arg10[%rem3A_244, %dma_start3A_349, %dma_start3A_350] : memref<3x128x128xf32, #tpu.memory_space<vmem>> -> memref<1x128x128xf32, #tpu.memory_space<vmem>>
        %dma_start3A_352 = tpu.memref_squeeze %dma_start3A_351 : memref<1x128x128xf32, #tpu.memory_space<vmem>> -> memref<128x128xf32, #tpu.memory_space<vmem>>
        %dma_start3A_353 = arith.constant 0 : i32
        %dma_start3A_354 = tpu.memref_slice %arg9[%rem3A_348, %dma_start3A_353] : memref<4x128xi32, #tpu.memory_space<vmem>> -> memref<1x128xi32, #tpu.memory_space<vmem>>
        %dma_start3A_355 = tpu.memref_squeeze %dma_start3A_354 : memref<1x128xi32, #tpu.memory_space<vmem>> -> memref<128xi32, #tpu.memory_space<vmem>>
        %dma_start3A_356 = arith.constant 0 : i32
        %dma_start3A_357 = arith.constant 0 : i32
        %dma_start3A_358 = tpu.memref_slice %arg2[%dma_start3A_356, %dma_start3A_357] : memref<10000x128xf32, #tpu.memory_space<hbm>> -> memref<10000x128xf32, #tpu.memory_space<hbm>>
        %dma_start3A_359 = tpu.memref_slice %arg16[%rem3A_244] : memref<3x!tpu.dma_semaphore, #tpu.memory_space<semaphore_mem>> -> memref<1x!tpu.dma_semaphore, #tpu.memory_space<semaphore_mem>>
        %dma_start3A_360 = tpu.memref_squeeze %dma_start3A_359 : memref<1x!tpu.dma_semaphore, #tpu.memory_space<semaphore_mem>> -> memref<!tpu.dma_semaphore, #tpu.memory_space<semaphore_mem>>
        tpu.enqueue_indirect_dma source(%dma_start3A_358 : memref<10000x128xf32, #tpu.memory_space<hbm>>) target(%dma_start3A_352 : memref<128x128xf32, #tpu.memory_space<vmem>>) offsets(%dma_start3A_355 : memref<128xi32, #tpu.memory_space<vmem>>) semaphore(%dma_start3A_360 : memref<!tpu.dma_semaphore, #tpu.memory_space<semaphore_mem>>)
      } else {
      }
      %rem3A_255 = arith.constant 4 : i32
      %rem3A_256 = arith.remsi %while3A_237, %rem3A_255 : i32
      %dma_wait3A_257 = arith.constant 0 : i32
      %dma_wait3A_258 = arith.constant 0 : i32
      %dma_wait3A_259 = tpu.memref_slice %arg10[%rem3A_240, %dma_wait3A_257, %dma_wait3A_258] : memref<3x128x128xf32, #tpu.memory_space<vmem>> -> memref<1x128x128xf32, #tpu.memory_space<vmem>>
      %dma_wait3A_260 = tpu.memref_squeeze %dma_wait3A_259 : memref<1x128x128xf32, #tpu.memory_space<vmem>> -> memref<128x128xf32, #tpu.memory_space<vmem>>
      %dma_wait3A_261 = arith.constant 0 : i32
      %dma_wait3A_262 = tpu.memref_slice %arg9[%rem3A_256, %dma_wait3A_261] : memref<4x128xi32, #tpu.memory_space<vmem>> -> memref<1x128xi32, #tpu.memory_space<vmem>>
      %dma_wait3A_263 = tpu.memref_squeeze %dma_wait3A_262 : memref<1x128xi32, #tpu.memory_space<vmem>> -> memref<128xi32, #tpu.memory_space<vmem>>
      %dma_wait3A_264 = arith.constant 0 : i32
      %dma_wait3A_265 = arith.constant 0 : i32
      %dma_wait3A_266 = tpu.memref_slice %arg2[%dma_wait3A_264, %dma_wait3A_265] : memref<10000x128xf32, #tpu.memory_space<hbm>> -> memref<10000x128xf32, #tpu.memory_space<hbm>>
      %dma_wait3A_267 = tpu.memref_slice %arg16[%rem3A_240] : memref<3x!tpu.dma_semaphore, #tpu.memory_space<semaphore_mem>> -> memref<1x!tpu.dma_semaphore, #tpu.memory_space<semaphore_mem>>
      %dma_wait3A_268 = tpu.memref_squeeze %dma_wait3A_267 : memref<1x!tpu.dma_semaphore, #tpu.memory_space<semaphore_mem>> -> memref<!tpu.dma_semaphore, #tpu.memory_space<semaphore_mem>>
      tpu.wait_indirect_dma semaphore(%dma_wait3A_268 : memref<!tpu.dma_semaphore, #tpu.memory_space<semaphore_mem>>) src(%dma_wait3A_266 : memref<10000x128xf32, #tpu.memory_space<hbm>>) dst(%dma_wait3A_260 : memref<128x128xf32, #tpu.memory_space<vmem>>)
      %rem3A_269 = arith.constant 3 : i32
      %rem3A_270 = arith.remsi %while3A_237, %rem3A_269 : i32
      %mul3A_271 = arith.constant 32 : i32
      %mul3A_272 = arith.muli %while3A_237, %mul3A_271 : i32
      %add3A_273 = arith.addi %add3A, %mul3A_272 : i32
      %mul3A_274 = arith.constant 128 : i32
      %mul3A_275 = arith.muli %add3A_273, %mul3A_274 : i32
      %dma_wait3A_276 = arith.constant 0 : i32
      %dma_wait3A_277 = arith.constant 0 : i32
      %dma_wait3A_278 = tpu.memref_slice %arg8[%rem3A_270, %dma_wait3A_277] : memref<3x128xi32, #tpu.memory_space<vmem>> -> memref<1x128xi32, #tpu.memory_space<vmem>>
      %dma_wait3A_279 = tpu.memref_squeeze %dma_wait3A_278 : memref<1x128xi32, #tpu.memory_space<vmem>> -> memref<128xi32, #tpu.memory_space<vmem>>
      %dma_wait3A_280 = tpu.memref_slice %arg3[%dma_wait3A_276, %mul3A_275] : memref<2x320000xi32, #tpu.memory_space<hbm>> -> memref<1x128xi32, #tpu.memory_space<hbm>>
      %dma_wait3A_281 = tpu.memref_squeeze %dma_wait3A_280 : memref<1x128xi32, #tpu.memory_space<hbm>> -> memref<128xi32, #tpu.memory_space<hbm>>
      %dma_wait3A_282 = tpu.memref_slice %arg14[%rem3A_270] : memref<3x!tpu.dma_semaphore, #tpu.memory_space<semaphore_mem>> -> memref<1x!tpu.dma_semaphore, #tpu.memory_space<semaphore_mem>>
      %dma_wait3A_283 = tpu.memref_squeeze %dma_wait3A_282 : memref<1x!tpu.dma_semaphore, #tpu.memory_space<semaphore_mem>> -> memref<!tpu.dma_semaphore, #tpu.memory_space<semaphore_mem>>
      %dma_wait3A_284 = arith.constant 0 : i32
      %dma_wait3A_285 = tpu.memref_slice %arg8[%rem3A_270, %dma_wait3A_284] : memref<3x128xi32, #tpu.memory_space<vmem>> -> memref<1x128xi32, #tpu.memory_space<vmem>>
      %dma_wait3A_286 = tpu.memref_squeeze %dma_wait3A_285 : memref<1x128xi32, #tpu.memory_space<vmem>> -> memref<128xi32, #tpu.memory_space<vmem>>
      %dma_wait3A_287 = tpu.memref_slice %arg3[%dma_wait3A_276, %mul3A_275] : memref<2x320000xi32, #tpu.memory_space<hbm>> -> memref<1x128xi32, #tpu.memory_space<hbm>>
      %dma_wait3A_288 = tpu.memref_squeeze %dma_wait3A_287 : memref<1x128xi32, #tpu.memory_space<hbm>> -> memref<128xi32, #tpu.memory_space<hbm>>
      tpu.wait_dma2 semaphore(%dma_wait3A_283 : memref<!tpu.dma_semaphore, #tpu.memory_space<semaphore_mem>>) src(%dma_wait3A_288 : memref<128xi32, #tpu.memory_space<hbm>>) dst(%dma_wait3A_286 : memref<128xi32, #tpu.memory_space<vmem>>)
      %rem3A_289 = arith.constant 3 : i32
      %rem3A_290 = arith.remsi %while3A_237, %rem3A_289 : i32
      %dma_start3A_291 = arith.constant 0 : i32
      %dma_start3A_292 = arith.constant 0 : i32
      %dma_start3A_293 = tpu.memref_slice %arg10[%rem3A_240, %dma_start3A_291, %dma_start3A_292] : memref<3x128x128xf32, #tpu.memory_space<vmem>> -> memref<1x128x128xf32, #tpu.memory_space<vmem>>
      %dma_start3A_294 = tpu.memref_squeeze %dma_start3A_293 : memref<1x128x128xf32, #tpu.memory_space<vmem>> -> memref<128x128xf32, #tpu.memory_space<vmem>>
      %dma_start3A_295 = arith.constant 0 : i32
      %dma_start3A_296 = tpu.memref_slice %arg8[%rem3A_290, %dma_start3A_295] : memref<3x128xi32, #tpu.memory_space<vmem>> -> memref<1x128xi32, #tpu.memory_space<vmem>>
      %dma_start3A_297 = tpu.memref_squeeze %dma_start3A_296 : memref<1x128xi32, #tpu.memory_space<vmem>> -> memref<128xi32, #tpu.memory_space<vmem>>
      %dma_start3A_298 = arith.constant 0 : i32
      %dma_start3A_299 = arith.constant 0 : i32
      %dma_start3A_300 = tpu.memref_slice %arg12[%dma_start3A_298, %dma_start3A_299] : memref<10000x128xf32, #tpu.memory_space<vmem_shared>> -> memref<10000x128xf32, #tpu.memory_space<vmem_shared>>
      %dma_start3A_301 = tpu.memref_slice %arg17[%rem3A_240] : memref<3x!tpu.dma_semaphore, #tpu.memory_space<semaphore_mem>> -> memref<1x!tpu.dma_semaphore, #tpu.memory_space<semaphore_mem>>
      %dma_start3A_302 = tpu.memref_squeeze %dma_start3A_301 : memref<1x!tpu.dma_semaphore, #tpu.memory_space<semaphore_mem>> -> memref<!tpu.dma_semaphore, #tpu.memory_space<semaphore_mem>>
      tpu.enqueue_indirect_dma source(%dma_start3A_294 : memref<128x128xf32, #tpu.memory_space<vmem>>) target(%dma_start3A_300 : memref<10000x128xf32, #tpu.memory_space<vmem_shared>>) offsets(%dma_start3A_297 : memref<128xi32, #tpu.memory_space<vmem>>) semaphore(%dma_start3A_302 : memref<!tpu.dma_semaphore, #tpu.memory_space<semaphore_mem>>) {add = true}
      %dma_start3A_303 = arith.constant 0 : i32
      %dma_start3A_304 = tpu.memref_slice %arg8[%rem3A_290, %dma_start3A_303] : memref<3x128xi32, #tpu.memory_space<vmem>> -> memref<1x128xi32, #tpu.memory_space<vmem>>
      %dma_start3A_305 = tpu.memref_squeeze %dma_start3A_304 : memref<1x128xi32, #tpu.memory_space<vmem>> -> memref<128xi32, #tpu.memory_space<vmem>>
      %dma_start3A_306 = arith.constant 0 : i32
      %dma_start3A_307 = tpu.memref_slice %arg13[%dma_start3A_306] : memref<10112xf32, #tpu.memory_space<vmem_shared>> -> memref<10112xf32, #tpu.memory_space<vmem_shared>>
      %dma_start3A_308 = tpu.memref_slice %arg18[%rem3A_240] : memref<3x!tpu.dma_semaphore, #tpu.memory_space<semaphore_mem>> -> memref<1x!tpu.dma_semaphore, #tpu.memory_space<semaphore_mem>>
      %dma_start3A_309 = tpu.memref_squeeze %dma_start3A_308 : memref<1x!tpu.dma_semaphore, #tpu.memory_space<semaphore_mem>> -> memref<!tpu.dma_semaphore, #tpu.memory_space<semaphore_mem>>
      tpu.enqueue_indirect_dma source(%arg11 : memref<128xf32, #tpu.memory_space<vmem>>) target(%dma_start3A_307 : memref<10112xf32, #tpu.memory_space<vmem_shared>>) offsets(%dma_start3A_305 : memref<128xi32, #tpu.memory_space<vmem>>) semaphore(%dma_start3A_309 : memref<!tpu.dma_semaphore, #tpu.memory_space<semaphore_mem>>) {add = true}
      %add3A_310 = arith.constant 2 : i32
      %add3A_311 = arith.addi %while3A_237, %add3A_310 : i32
      %lt3A_312 = arith.cmpi slt, %add3A_311, %select_n3A_4 : i32
      %convert_element_type3A_313 = arith.extui %lt3A_312 : i1 to i32
      %cond3A_314 = arith.constant 0 : i32
      %cond3A_315 = arith.cmpi ne, %convert_element_type3A_313, %cond3A_314 : i32
      scf.if %cond3A_315 {
        %add3A_323 = arith.constant 2 : i32
        %add3A_324 = arith.addi %while3A_237, %add3A_323 : i32
        %rem3A_325 = arith.constant 3 : i32
        %rem3A_326 = arith.remsi %add3A_324, %rem3A_325 : i32
        %mul3A_327 = arith.constant 32 : i32
        %mul3A_328 = arith.muli %add3A_324, %mul3A_327 : i32
        %add3A_329 = arith.addi %add3A, %mul3A_328 : i32
        %mul3A_330 = arith.constant 128 : i32
        %mul3A_331 = arith.muli %add3A_329, %mul3A_330 : i32
        %dma_start3A_332 = arith.constant 0 : i32
        %dma_start3A_333 = arith.constant 0 : i32
        %dma_start3A_334 = tpu.memref_slice %arg8[%rem3A_326, %dma_start3A_333] : memref<3x128xi32, #tpu.memory_space<vmem>> -> memref<1x128xi32, #tpu.memory_space<vmem>>
        %dma_start3A_335 = tpu.memref_squeeze %dma_start3A_334 : memref<1x128xi32, #tpu.memory_space<vmem>> -> memref<128xi32, #tpu.memory_space<vmem>>
        %dma_start3A_336 = tpu.memref_slice %arg3[%dma_start3A_332, %mul3A_331] : memref<2x320000xi32, #tpu.memory_space<hbm>> -> memref<1x128xi32, #tpu.memory_space<hbm>>
        %dma_start3A_337 = tpu.memref_squeeze %dma_start3A_336 : memref<1x128xi32, #tpu.memory_space<hbm>> -> memref<128xi32, #tpu.memory_space<hbm>>
        %dma_start3A_338 = tpu.memref_slice %arg14[%rem3A_326] : memref<3x!tpu.dma_semaphore, #tpu.memory_space<semaphore_mem>> -> memref<1x!tpu.dma_semaphore, #tpu.memory_space<semaphore_mem>>
        %dma_start3A_339 = tpu.memref_squeeze %dma_start3A_338 : memref<1x!tpu.dma_semaphore, #tpu.memory_space<semaphore_mem>> -> memref<!tpu.dma_semaphore, #tpu.memory_space<semaphore_mem>>
        %dma_start3A_340 = arith.constant 0 : i32
        %dma_start3A_341 = tpu.memref_slice %arg8[%rem3A_326, %dma_start3A_340] : memref<3x128xi32, #tpu.memory_space<vmem>> -> memref<1x128xi32, #tpu.memory_space<vmem>>
        %dma_start3A_342 = tpu.memref_squeeze %dma_start3A_341 : memref<1x128xi32, #tpu.memory_space<vmem>> -> memref<128xi32, #tpu.memory_space<vmem>>
        %dma_start3A_343 = tpu.memref_slice %arg3[%dma_start3A_332, %mul3A_331] : memref<2x320000xi32, #tpu.memory_space<hbm>> -> memref<1x128xi32, #tpu.memory_space<hbm>>
        %dma_start3A_344 = tpu.memref_squeeze %dma_start3A_343 : memref<1x128xi32, #tpu.memory_space<hbm>> -> memref<128xi32, #tpu.memory_space<hbm>>
        tpu.enqueue_dma source(%dma_start3A_344 : memref<128xi32, #tpu.memory_space<hbm>>) target(%dma_start3A_342 : memref<128xi32, #tpu.memory_space<vmem>>) target_semaphore(%dma_start3A_339 : memref<!tpu.dma_semaphore, #tpu.memory_space<semaphore_mem>>)
      } else {
      }
      %add3A_316 = arith.constant 3 : i32
      %add3A_317 = arith.addi %while3A_237, %add3A_316 : i32
      %lt3A_318 = arith.cmpi slt, %add3A_317, %select_n3A_4 : i32
      %convert_element_type3A_319 = arith.extui %lt3A_318 : i1 to i32
      %cond3A_320 = arith.constant 0 : i32
      %cond3A_321 = arith.cmpi ne, %convert_element_type3A_319, %cond3A_320 : i32
      scf.if %cond3A_321 {
        %add3A_323 = arith.constant 3 : i32
        %add3A_324 = arith.addi %while3A_237, %add3A_323 : i32
        %rem3A_325 = arith.constant 4 : i32
        %rem3A_326 = arith.remsi %add3A_324, %rem3A_325 : i32
        %mul3A_327 = arith.constant 32 : i32
        %mul3A_328 = arith.muli %add3A_324, %mul3A_327 : i32
        %add3A_329 = arith.addi %add3A, %mul3A_328 : i32
        %mul3A_330 = arith.constant 128 : i32
        %mul3A_331 = arith.muli %add3A_329, %mul3A_330 : i32
        %dma_start3A_332 = arith.constant 1 : i32
        %dma_start3A_333 = arith.constant 0 : i32
        %dma_start3A_334 = tpu.memref_slice %arg9[%rem3A_326, %dma_start3A_333] : memref<4x128xi32, #tpu.memory_space<vmem>> -> memref<1x128xi32, #tpu.memory_space<vmem>>
        %dma_start3A_335 = tpu.memref_squeeze %dma_start3A_334 : memref<1x128xi32, #tpu.memory_space<vmem>> -> memref<128xi32, #tpu.memory_space<vmem>>
        %dma_start3A_336 = tpu.memref_slice %arg3[%dma_start3A_332, %mul3A_331] : memref<2x320000xi32, #tpu.memory_space<hbm>> -> memref<1x128xi32, #tpu.memory_space<hbm>>
        %dma_start3A_337 = tpu.memref_squeeze %dma_start3A_336 : memref<1x128xi32, #tpu.memory_space<hbm>> -> memref<128xi32, #tpu.memory_space<hbm>>
        %dma_start3A_338 = tpu.memref_slice %arg15[%rem3A_326] : memref<4x!tpu.dma_semaphore, #tpu.memory_space<semaphore_mem>> -> memref<1x!tpu.dma_semaphore, #tpu.memory_space<semaphore_mem>>
        %dma_start3A_339 = tpu.memref_squeeze %dma_start3A_338 : memref<1x!tpu.dma_semaphore, #tpu.memory_space<semaphore_mem>> -> memref<!tpu.dma_semaphore, #tpu.memory_space<semaphore_mem>>
        %dma_start3A_340 = arith.constant 0 : i32
        %dma_start3A_341 = tpu.memref_slice %arg9[%rem3A_326, %dma_start3A_340] : memref<4x128xi32, #tpu.memory_space<vmem>> -> memref<1x128xi32, #tpu.memory_space<vmem>>
        %dma_start3A_342 = tpu.memref_squeeze %dma_start3A_341 : memref<1x128xi32, #tpu.memory_space<vmem>> -> memref<128xi32, #tpu.memory_space<vmem>>
        %dma_start3A_343 = tpu.memref_slice %arg3[%dma_start3A_332, %mul3A_331] : memref<2x320000xi32, #tpu.memory_space<hbm>> -> memref<1x128xi32, #tpu.memory_space<hbm>>
        %dma_start3A_344 = tpu.memref_squeeze %dma_start3A_343 : memref<1x128xi32, #tpu.memory_space<hbm>> -> memref<128xi32, #tpu.memory_space<hbm>>
        tpu.enqueue_dma source(%dma_start3A_344 : memref<128xi32, #tpu.memory_space<hbm>>) target(%dma_start3A_342 : memref<128xi32, #tpu.memory_space<vmem>>) target_semaphore(%dma_start3A_339 : memref<!tpu.dma_semaphore, #tpu.memory_space<semaphore_mem>>)
      } else {
      }
      %while3A_322 = arith.constant 0 : i32
      scf.yield %while3A_322 : i32
    }
    %sub3A = arith.constant 1 : i32
    %sub3A_200 = arith.subi %select_n3A_4, %sub3A : i32
    %sub3A_201 = arith.constant 1 : i32
    %sub3A_202 = arith.subi %select_n3A_4, %sub3A_201 : i32
    %rem3A_203 = arith.constant 3 : i32
    %rem3A_204 = arith.remsi %sub3A_202, %rem3A_203 : i32
    %rem3A_205 = arith.constant 3 : i32
    %rem3A_206 = arith.remsi %sub3A_200, %rem3A_205 : i32
    %dma_wait3A_207 = arith.constant 0 : i32
    %dma_wait3A_208 = arith.constant 0 : i32
    %dma_wait3A_209 = tpu.memref_slice %arg10[%rem3A_204, %dma_wait3A_207, %dma_wait3A_208] : memref<3x128x128xf32, #tpu.memory_space<vmem>> -> memref<1x128x128xf32, #tpu.memory_space<vmem>>
    %dma_wait3A_210 = tpu.memref_squeeze %dma_wait3A_209 : memref<1x128x128xf32, #tpu.memory_space<vmem>> -> memref<128x128xf32, #tpu.memory_space<vmem>>
    %dma_wait3A_211 = arith.constant 0 : i32
    %dma_wait3A_212 = tpu.memref_slice %arg8[%rem3A_206, %dma_wait3A_211] : memref<3x128xi32, #tpu.memory_space<vmem>> -> memref<1x128xi32, #tpu.memory_space<vmem>>
    %dma_wait3A_213 = tpu.memref_squeeze %dma_wait3A_212 : memref<1x128xi32, #tpu.memory_space<vmem>> -> memref<128xi32, #tpu.memory_space<vmem>>
    %dma_wait3A_214 = arith.constant 0 : i32
    %dma_wait3A_215 = arith.constant 0 : i32
    %dma_wait3A_216 = tpu.memref_slice %arg12[%dma_wait3A_214, %dma_wait3A_215] : memref<10000x128xf32, #tpu.memory_space<vmem_shared>> -> memref<10000x128xf32, #tpu.memory_space<vmem_shared>>
    %dma_wait3A_217 = tpu.memref_slice %arg17[%rem3A_204] : memref<3x!tpu.dma_semaphore, #tpu.memory_space<semaphore_mem>> -> memref<1x!tpu.dma_semaphore, #tpu.memory_space<semaphore_mem>>
    %dma_wait3A_218 = tpu.memref_squeeze %dma_wait3A_217 : memref<1x!tpu.dma_semaphore, #tpu.memory_space<semaphore_mem>> -> memref<!tpu.dma_semaphore, #tpu.memory_space<semaphore_mem>>
    tpu.wait_indirect_dma semaphore(%dma_wait3A_218 : memref<!tpu.dma_semaphore, #tpu.memory_space<semaphore_mem>>) src(%dma_wait3A_210 : memref<128x128xf32, #tpu.memory_space<vmem>>) dst(%dma_wait3A_216 : memref<10000x128xf32, #tpu.memory_space<vmem_shared>>)
    %dma_wait3A_219 = arith.constant 0 : i32
    %dma_wait3A_220 = tpu.memref_slice %arg8[%rem3A_206, %dma_wait3A_219] : memref<3x128xi32, #tpu.memory_space<vmem>> -> memref<1x128xi32, #tpu.memory_space<vmem>>
    %dma_wait3A_221 = tpu.memref_squeeze %dma_wait3A_220 : memref<1x128xi32, #tpu.memory_space<vmem>> -> memref<128xi32, #tpu.memory_space<vmem>>
    %dma_wait3A_222 = arith.constant 0 : i32
    %dma_wait3A_223 = tpu.memref_slice %arg13[%dma_wait3A_222] : memref<10112xf32, #tpu.memory_space<vmem_shared>> -> memref<10112xf32, #tpu.memory_space<vmem_shared>>
    %dma_wait3A_224 = tpu.memref_slice %arg18[%rem3A_204] : memref<3x!tpu.dma_semaphore, #tpu.memory_space<semaphore_mem>> -> memref<1x!tpu.dma_semaphore, #tpu.memory_space<semaphore_mem>>
    %dma_wait3A_225 = tpu.memref_squeeze %dma_wait3A_224 : memref<1x!tpu.dma_semaphore, #tpu.memory_space<semaphore_mem>> -> memref<!tpu.dma_semaphore, #tpu.memory_space<semaphore_mem>>
    tpu.wait_indirect_dma semaphore(%dma_wait3A_225 : memref<!tpu.dma_semaphore, #tpu.memory_space<semaphore_mem>>) src(%arg11 : memref<128xf32, #tpu.memory_space<vmem>>) dst(%dma_wait3A_223 : memref<10112xf32, #tpu.memory_space<vmem_shared>>)
    %barrier3A_226 = arith.constant 0 : index
    tpu.barrier barrier_id(%barrier3A_226)
    %lt3A_227 = arith.constant 15 : i32
    %lt3A_228 = arith.cmpi slt, %arg1, %lt3A_227 : i32
    %convert_element_type3A_229 = arith.extui %lt3A_228 : i1 to i32
    %cond3A_230 = arith.constant 0 : i32
    %cond3A_231 = arith.cmpi ne, %convert_element_type3A_229, %cond3A_230 : i32
    scf.if %cond3A_231 {
      %mul3A_237 = arith.constant 632 : i32
      %mul3A_238 = arith.muli %arg1, %mul3A_237 : i32
      %mul3A_239 = arith.constant 632 : i32
      %mul3A_240 = arith.muli %arg1, %mul3A_239 : i32
      "tpu.region"() ({
        %run_scoped3A = tpu.sem_alloc : memref<!tpu.dma_semaphore, #tpu.memory_space<semaphore_mem>>
        %dma_start3A_248 = arith.constant 0 : i32
        %dma_start3A_249 = tpu.memref_slice %arg6[%arg0, %mul3A_240, %dma_start3A_248] : memref<2x10000x128xf32, #tpu.memory_space<hbm>> -> memref<1x632x128xf32, #tpu.memory_space<hbm>>
        %dma_start3A_250 = tpu.memref_squeeze %dma_start3A_249 : memref<1x632x128xf32, #tpu.memory_space<hbm>> -> memref<632x128xf32, #tpu.memory_space<hbm>>
        %dma_start3A_251 = arith.constant 0 : i32
        %dma_start3A_252 = tpu.memref_slice %arg12[%mul3A_238, %dma_start3A_251] : memref<10000x128xf32, #tpu.memory_space<vmem_shared>> -> memref<632x128xf32, #tpu.memory_space<vmem_shared>>
        tpu.enqueue_dma source(%dma_start3A_252 : memref<632x128xf32, #tpu.memory_space<vmem_shared>>) target(%dma_start3A_250 : memref<632x128xf32, #tpu.memory_space<hbm>>) target_semaphore(%run_scoped3A : memref<!tpu.dma_semaphore, #tpu.memory_space<semaphore_mem>>)
        %dma_wait3A_253 = arith.constant 0 : i32
        %dma_wait3A_254 = tpu.memref_slice %arg6[%arg0, %mul3A_240, %dma_wait3A_253] : memref<2x10000x128xf32, #tpu.memory_space<hbm>> -> memref<1x632x128xf32, #tpu.memory_space<hbm>>
        %dma_wait3A_255 = tpu.memref_squeeze %dma_wait3A_254 : memref<1x632x128xf32, #tpu.memory_space<hbm>> -> memref<632x128xf32, #tpu.memory_space<hbm>>
        %dma_wait3A_256 = arith.constant 0 : i32
        %dma_wait3A_257 = tpu.memref_slice %arg12[%mul3A_238, %dma_wait3A_256] : memref<10000x128xf32, #tpu.memory_space<vmem_shared>> -> memref<632x128xf32, #tpu.memory_space<vmem_shared>>
        tpu.wait_dma2 semaphore(%run_scoped3A : memref<!tpu.dma_semaphore, #tpu.memory_space<semaphore_mem>>) src(%dma_wait3A_257 : memref<632x128xf32, #tpu.memory_space<vmem_shared>>) dst(%dma_wait3A_255 : memref<632x128xf32, #tpu.memory_space<hbm>>)
        tpu.yield
      }) : () -> ()
      %mul3A_241 = arith.constant 640 : i32
      %mul3A_242 = arith.muli %arg1, %mul3A_241 : i32
      %mul3A_243 = arith.constant 10112 : i32
      %mul3A_244 = arith.muli %arg0, %mul3A_243 : i32
      %mul3A_245 = arith.constant 640 : i32
      %mul3A_246 = arith.muli %arg1, %mul3A_245 : i32
      %add3A_247 = arith.addi %mul3A_244, %mul3A_246 : i32
      "tpu.region"() ({
        %run_scoped3A = tpu.sem_alloc : memref<!tpu.dma_semaphore, #tpu.memory_space<semaphore_mem>>
        %dma_start3A_248 = tpu.memref_slice %arg7[%add3A_247] : memref<20224xf32, #tpu.memory_space<hbm>> -> memref<640xf32, #tpu.memory_space<hbm>>
        %dma_start3A_249 = tpu.memref_slice %arg13[%mul3A_242] : memref<10112xf32, #tpu.memory_space<vmem_shared>> -> memref<640xf32, #tpu.memory_space<vmem_shared>>
        tpu.enqueue_dma source(%dma_start3A_249 : memref<640xf32, #tpu.memory_space<vmem_shared>>) target(%dma_start3A_248 : memref<640xf32, #tpu.memory_space<hbm>>) target_semaphore(%run_scoped3A : memref<!tpu.dma_semaphore, #tpu.memory_space<semaphore_mem>>)
        %dma_wait3A_250 = tpu.memref_slice %arg7[%add3A_247] : memref<20224xf32, #tpu.memory_space<hbm>> -> memref<640xf32, #tpu.memory_space<hbm>>
        %dma_wait3A_251 = tpu.memref_slice %arg13[%mul3A_242] : memref<10112xf32, #tpu.memory_space<vmem_shared>> -> memref<640xf32, #tpu.memory_space<vmem_shared>>
        tpu.wait_dma2 semaphore(%run_scoped3A : memref<!tpu.dma_semaphore, #tpu.memory_space<semaphore_mem>>) src(%dma_wait3A_251 : memref<640xf32, #tpu.memory_space<vmem_shared>>) dst(%dma_wait3A_250 : memref<640xf32, #tpu.memory_space<hbm>>)
        tpu.yield
      }) : () -> ()
    } else {
    }
    %eq3A_232 = arith.constant 15 : i32
    %eq3A_233 = arith.cmpi eq, %arg1, %eq3A_232 : i32
    %convert_element_type3A_234 = arith.extui %eq3A_233 : i1 to i32
    %cond3A_235 = arith.constant 0 : i32
    %cond3A_236 = arith.cmpi ne, %convert_element_type3A_234, %cond3A_235 : i32
    scf.if %cond3A_236 {
      "tpu.region"() ({
        %run_scoped3A = tpu.sem_alloc : memref<!tpu.dma_semaphore, #tpu.memory_space<semaphore_mem>>
        %dma_start3A_241 = arith.constant 9480 : i32
        %dma_start3A_242 = arith.constant 0 : i32
        %dma_start3A_243 = tpu.memref_slice %arg6[%arg0, %dma_start3A_241, %dma_start3A_242] : memref<2x10000x128xf32, #tpu.memory_space<hbm>> -> memref<1x520x128xf32, #tpu.memory_space<hbm>>
        %dma_start3A_244 = tpu.memref_squeeze %dma_start3A_243 : memref<1x520x128xf32, #tpu.memory_space<hbm>> -> memref<520x128xf32, #tpu.memory_space<hbm>>
        %dma_start3A_245 = arith.constant 9480 : i32
        %dma_start3A_246 = arith.constant 0 : i32
        %dma_start3A_247 = tpu.memref_slice %arg12[%dma_start3A_245, %dma_start3A_246] : memref<10000x128xf32, #tpu.memory_space<vmem_shared>> -> memref<520x128xf32, #tpu.memory_space<vmem_shared>>
        tpu.enqueue_dma source(%dma_start3A_247 : memref<520x128xf32, #tpu.memory_space<vmem_shared>>) target(%dma_start3A_244 : memref<520x128xf32, #tpu.memory_space<hbm>>) target_semaphore(%run_scoped3A : memref<!tpu.dma_semaphore, #tpu.memory_space<semaphore_mem>>)
        %dma_wait3A_248 = arith.constant 9480 : i32
        %dma_wait3A_249 = arith.constant 0 : i32
        %dma_wait3A_250 = tpu.memref_slice %arg6[%arg0, %dma_wait3A_248, %dma_wait3A_249] : memref<2x10000x128xf32, #tpu.memory_space<hbm>> -> memref<1x520x128xf32, #tpu.memory_space<hbm>>
        %dma_wait3A_251 = tpu.memref_squeeze %dma_wait3A_250 : memref<1x520x128xf32, #tpu.memory_space<hbm>> -> memref<520x128xf32, #tpu.memory_space<hbm>>
        %dma_wait3A_252 = arith.constant 9480 : i32
        %dma_wait3A_253 = arith.constant 0 : i32
        %dma_wait3A_254 = tpu.memref_slice %arg12[%dma_wait3A_252, %dma_wait3A_253] : memref<10000x128xf32, #tpu.memory_space<vmem_shared>> -> memref<520x128xf32, #tpu.memory_space<vmem_shared>>
        tpu.wait_dma2 semaphore(%run_scoped3A : memref<!tpu.dma_semaphore, #tpu.memory_space<semaphore_mem>>) src(%dma_wait3A_254 : memref<520x128xf32, #tpu.memory_space<vmem_shared>>) dst(%dma_wait3A_251 : memref<520x128xf32, #tpu.memory_space<hbm>>)
        tpu.yield
      }) : () -> ()
      %mul3A_237 = arith.constant 10112 : i32
      %mul3A_238 = arith.muli %arg0, %mul3A_237 : i32
      %add3A_239 = arith.constant 9600 : i32
      %add3A_240 = arith.addi %mul3A_238, %add3A_239 : i32
      "tpu.region"() ({
        %run_scoped3A = tpu.sem_alloc : memref<!tpu.dma_semaphore, #tpu.memory_space<semaphore_mem>>
        %dma_start3A_241 = tpu.memref_slice %arg7[%add3A_240] : memref<20224xf32, #tpu.memory_space<hbm>> -> memref<512xf32, #tpu.memory_space<hbm>>
        %dma_start3A_242 = arith.constant 9600 : i32
        %dma_start3A_243 = tpu.memref_slice %arg13[%dma_start3A_242] : memref<10112xf32, #tpu.memory_space<vmem_shared>> -> memref<512xf32, #tpu.memory_space<vmem_shared>>
        tpu.enqueue_dma source(%dma_start3A_243 : memref<512xf32, #tpu.memory_space<vmem_shared>>) target(%dma_start3A_241 : memref<512xf32, #tpu.memory_space<hbm>>) target_semaphore(%run_scoped3A : memref<!tpu.dma_semaphore, #tpu.memory_space<semaphore_mem>>)
        %dma_wait3A_244 = tpu.memref_slice %arg7[%add3A_240] : memref<20224xf32, #tpu.memory_space<hbm>> -> memref<512xf32, #tpu.memory_space<hbm>>
        %dma_wait3A_245 = arith.constant 9600 : i32
        %dma_wait3A_246 = tpu.memref_slice %arg13[%dma_wait3A_245] : memref<10112xf32, #tpu.memory_space<vmem_shared>> -> memref<512xf32, #tpu.memory_space<vmem_shared>>
        tpu.wait_dma2 semaphore(%run_scoped3A : memref<!tpu.dma_semaphore, #tpu.memory_space<semaphore_mem>>) src(%dma_wait3A_246 : memref<512xf32, #tpu.memory_space<vmem_shared>>) dst(%dma_wait3A_244 : memref<512xf32, #tpu.memory_space<hbm>>)
        tpu.yield
      }) : () -> ()
    } else {
    }
    return
  }
}

module attributes {stable_mosaic.version = 14 : i64} {
  func.func @_tc_finish_body(%arg0: i32, %arg1: memref<2x10000x128xf32, #tpu.memory_space<vmem>>, %arg2: memref<2x10112xf32, #tpu.memory_space<vmem>>, %arg3: memref<10000x128xf32, #tpu.memory_space<vmem>>, %arg4: memref<128x128xf32, #tpu.memory_space<vmem>>, %arg5: memref<10000x128xf32, #tpu.memory_space<vmem>>) attributes {dimension_semantics = [#tpu.dimension_semantics<arbitrary>], iteration_bounds = array<i64: 1>, scalar_prefetch = 0 : i64, scratch_operands = 0 : i64, tpu.core_type = #tpu.core_type<tc>, window_params = [{pipeline_mode = #tpu.pipeline_mode<synchronous>, transform_indices = @transform_0, window_bounds = array<i64: 2, 10000, 128>}, {pipeline_mode = #tpu.pipeline_mode<synchronous>, transform_indices = @transform_1, window_bounds = array<i64: 2, 10112>}, {pipeline_mode = #tpu.pipeline_mode<synchronous>, transform_indices = @transform_2, window_bounds = array<i64: 10000, 128>}, {pipeline_mode = #tpu.pipeline_mode<synchronous>, transform_indices = @transform_3, window_bounds = array<i64: 128, 128>}, {pipeline_mode = #tpu.pipeline_mode<synchronous>, transform_indices = @transform_4, window_bounds = array<i64: 10000, 128>}]} {
    %get3A = arith.constant 0 : index
    %get3A_0 = arith.constant 0 : index
    %get3A_1 = vector.load %arg2[%get3A, %get3A_0] : memref<2x10112xf32, #tpu.memory_space<vmem>>, vector<2x10112xf32>
    %transpose3A = tpu.transpose %get3A_1, [1, 0] : vector<2x10112xf32> -> vector<10112x2xf32>
    %slice3A = vector.extract_strided_slice %transpose3A {offsets = [0, 0], sizes = [10000, 1], strides = [1, 1]} : vector<10112x2xf32> to vector<10000x1xf32>
    %slice3A_2 = vector.extract_strided_slice %transpose3A {offsets = [0, 1], sizes = [10000, 1], strides = [1, 1]} : vector<10112x2xf32> to vector<10000x1xf32>
    %add3A = arith.addf %slice3A, %slice3A_2 : vector<10000x1xf32>
    %add3A_3 = arith.constant 1.000000e+00 : f32
    %add3A_4 = vector.broadcast %add3A_3 : f32 to vector<10000x1xf32>
    %add3A_5 = arith.addf %add3A, %add3A_4 : vector<10000x1xf32>
    %get3A_6 = arith.constant 0 : index
    %get3A_7 = arith.constant 0 : index
    %get3A_8 = arith.constant 0 : index
    %get3A_9 = vector.load %arg1[%get3A_6, %get3A_7, %get3A_8] : memref<2x10000x128xf32, #tpu.memory_space<vmem>>, vector<1x10000x128xf32>
    %get3A_10 = vector.shape_cast %get3A_9 : vector<1x10000x128xf32> to vector<10000x128xf32>
    %get3A_11 = arith.constant 1 : index
    %get3A_12 = arith.constant 0 : index
    %get3A_13 = arith.constant 0 : index
    %get3A_14 = vector.load %arg1[%get3A_11, %get3A_12, %get3A_13] : memref<2x10000x128xf32, #tpu.memory_space<vmem>>, vector<1x10000x128xf32>
    %get3A_15 = vector.shape_cast %get3A_14 : vector<1x10000x128xf32> to vector<10000x128xf32>
    %add3A_16 = arith.addf %get3A_10, %get3A_15 : vector<10000x128xf32>
    %get3A_17 = arith.constant 0 : index
    %get3A_18 = arith.constant 0 : index
    %get3A_19 = vector.load %arg3[%get3A_17, %get3A_18] : memref<10000x128xf32, #tpu.memory_space<vmem>>, vector<10000x128xf32>
    %add3A_20 = arith.addf %add3A_16, %get3A_19 : vector<10000x128xf32>
    %div3A = vector.broadcast %add3A_5 : vector<10000x1xf32> to vector<10000x128xf32>
    %div3A_21 = arith.divf %add3A_20, %div3A : vector<10000x128xf32>
    %get3A_22 = arith.constant 0 : index
    %get3A_23 = arith.constant 0 : index
    %get3A_24 = vector.load %arg4[%get3A_22, %get3A_23] : memref<128x128xf32, #tpu.memory_space<vmem>>, vector<128x128xf32>
    %dot_general3A = arith.constant dense<0.000000e+00> : vector<10000x128xf32>
    %dot_general3A_25 = tpu.matmul %div3A_21, %get3A_24, %dot_general3A {dimension_numbers = #tpu.dot_dimension_numbers<[1], [0], [0], [1], [0, 0, 1, 1], [], []>, transpose_lhs_hint = false} : vector<10000x128xf32>, vector<128x128xf32>, vector<10000x128xf32> -> vector<10000x128xf32>
    %swap3A = arith.constant 0 : index
    %swap3A_26 = arith.constant 0 : index
    %swap3A_27 = vector.load %arg5[%swap3A, %swap3A_26] : memref<10000x128xf32, #tpu.memory_space<vmem>>, vector<10000x128xf32>
    tpu.vector_store %arg5[%swap3A, %swap3A_26], %dot_general3A_25 {strides = array<i32>} : memref<10000x128xf32, #tpu.memory_space<vmem>>, vector<10000x128xf32>,
    return
  }
  func.func @transform_0(%arg0: i32) -> (i32, i32, i32) {
    %c0_i32 = arith.constant 0 : i32
    %c0_i32_0 = arith.constant 0 : i32
    %c0_i32_1 = arith.constant 0 : i32
    %c0_i32_2 = arith.constant 0 : i32
    return %c0_i32, %c0_i32_0, %c0_i32_1 : i32, i32, i32
  }
  func.func @transform_1(%arg0: i32) -> (i32, i32) {
    %c0_i32 = arith.constant 0 : i32
    %c0_i32_0 = arith.constant 0 : i32
    %c0_i32_1 = arith.constant 0 : i32
    return %c0_i32, %c0_i32_0 : i32, i32
  }
  func.func @transform_2(%arg0: i32) -> (i32, i32) {
    %c0_i32 = arith.constant 0 : i32
    %c0_i32_0 = arith.constant 0 : i32
    %c0_i32_1 = arith.constant 0 : i32
    return %c0_i32, %c0_i32_0 : i32, i32
  }
  func.func @transform_3(%arg0: i32) -> (i32, i32) {
    %c0_i32 = arith.constant 0 : i32
    %c0_i32_0 = arith.constant 0 : i32
    %c0_i32_1 = arith.constant 0 : i32
    return %c0_i32, %c0_i32_0 : i32, i32
  }
  func.func @transform_4(%arg0: i32) -> (i32, i32) {
    %c0_i32 = arith.constant 0 : i32
    %c0_i32_0 = arith.constant 0 : i32
    %c0_i32_1 = arith.constant 0 : i32
    return %c0_i32, %c0_i32_0 : i32, i32
  }
}

</mosaic_0001>

<sc_bundles>
// kernel: kernel.4.cloned.1.call-start
scs
__scs_entry_jumppad:
0x0: {  	(pc) =	sbr.rel $0x88, $3  }
0x1: {  	(tag) =	ssettag $0x0;
	lr =	simm.s32 $0x1  }
0x2: {  	[smem:$0x3F9E] =	sst lr;
	_ =	strace $0xD0000000  }
0x3: {  	_ = 	snop  }
0x4: {  	_ = 	snop  }
0x5: {  	_ = 	snop  }
0x6: {  	_ = 	snop  }
0x7: {  	_ = 	snop  }
__scs_overlays_trampoline_lowered:
0x8: {  	[smem:$0x3FAD] =	sst s0  }
0x9: {  	[smem:$0x3FAE] =	sst s1  }
0xa: {  	[smem:$0x3FAF] =	sst s2  }
0xb: {  	[smem:$0x3FB0] =	sst s3  }
0xc: {  	[smem:$0x3FB1] =	sst s4  }
0xd: {  	[smem:$0x3FB2] =	sst s5  }
0xe: {  	[smem:$0x3FB3] =	sst s6  }
0xf: {  	[smem:$0x3FB4] =	sst s7  }
0x10: {  	[smem:$0x3FB5] =	sst s8  }
0x11: {  	[smem:$0x3FB6] =	sst s9;
	s0 =	simm.s32 @!p0 $0x0  }
0x12: {  	s1 =	sld [smem:$0x3F9C];
	s0 =	simm.s32 @p0 $0x1  }
0x13: {  	[smem:$0x3FB7] =	sst s0;
	s0 =	simm.s32 @!p1 $0x0  }
0x14: {  	s2 =	sld [smem:$0x3F9B];
	s0 =	simm.s32 @p1 $0x1  }
0x15: {  	[smem:$0x3FB8] =	sst s0;
	s0 =	simm.s32 @!p2 $0x0  }
0x16: {  	s3 =	sld [smem:$0x3FDB];
	s0 =	simm.s32 @p2 $0x1  }
0x17: {  	s4 =	simm.s32 $0x1BF5;
	[smem:$0x3FBA] =	sst s0  }
0x18: {  	s0 =	sld [smem:$0x3F9D];
	_ =	swait.ge [sflag:s4], $0x0  }
0x19: {  	s7 =	sld [smem:$0x3F9E]  }
0x1a: {  	s8 =	sadd.s32 $0xFFFFE003, lr  }
0x1b: {  	s9 =	sadd.s32 $0xFFFFFEF7, lr;
	s5 =	simm.s32 $0xFFFFFFFF;
	p2 =	slt.u32 s8, $0xFFFFF086  }
0x1c: {  	p1 =	slt.u32 s9, $0xF7A;
	s5 =	simm.s32 @!p2 $0x0  }
0x1d: {  	s5 =	simm.s32 @p1 $0x1;
	p0 =	seq.s32 s7, s2  }
0x1e: {  	s7 =	smul.u32 @!p0 $0xF7A, s2;
	p2 =	seq.s32 @!p0 s5, $0x0  }
0x1f: {  	s9 =	smul.u32 $0xF7A, s1;
	s8 =	simm.s32 @!p0 $0x1BF5;
	p2 =	por !p2, p0  }
0x20: {  	[sflag:s8] =	ssyncset.s32 @!p0 $0xFFFFF086;
	s6 =	sadd.s32 @!p0 s3, s7;
	s7 =	simm.s32 @!p0 $0x108  }
0x21: {  	s3 =	sadd.s32 s3, s9;
	s6 =	sadd.s32 @!p0 $0x88, s6;
	s7 =	simm.s32 @p2 $0x1082  }
0x22: {  	[simem:s7], [sflag:s8] =	dma.local @!p0 [hbm:s6], $0xF7A  }
0x23: {  	s9 =	sor.u32 $0xD0000000, s2;
	s6 =	simm.s32 $0x108;
	_ =	swait.ge @!p0 [sflag:s8], $0x0  }
0x24: {  	s3 =	sadd.s32 $0x88, s3;
	s6 =	simm.s32 @!p1 $0x1082;
	[sflag:s4] =	ssyncset.s32 $0xFFFFF086  }
0x25: {  	[simem:s6], [sflag:s4] =	dma.local [hbm:s3], $0xF7A  }
0x26: {  	[smem:$0x3F9E] =	sst s1;
	(tag) =	ssettag s2;
	_ =	strace s9  }
0x27: {  	s1 =	sld [smem:$0x3FAE]  }
0x28: {  	s2 =	sld [smem:$0x3FAF]  }
0x29: {  	s4 =	sld [smem:$0x3FB1]  }
0x2a: {  	p0 =	seq.s32 s5, $0x0;
	s5 =	sld [smem:$0x3FB2]  }
0x2b: {  	s6 =	sld [smem:$0x3FB3]  }
0x2c: {  	s7 =	sld [smem:$0x3FB4]  }
0x2d: {  	s3 =	simm.s32 $0x108;
	s8 =	sld [smem:$0x3FB5]  }
0x2e: {  	s3 =	simm.s32 @!p0 $0x1082;
	s9 =	sld [smem:$0x3FB6]  }
0x2f: {  	lr =	sadd.s32 s0, s3;
	s0 =	sld [smem:$0x3FAD]  }
0x30: {  	s3 =	sld [smem:$0x3FB0]  }
0x31: {  	[smem:$0x3FB9] =	sst s10  }
0x32: {  	s10 =	sld [smem:$0x3FB7];
	_ =	sdelay $0x3  }
0x33: {  	p0 =	seq.s32 s10, $0x1;
	s10 =	sld [smem:$0x3FB9];
	_ =	sdelay $0x3  }
0x34: {  	[smem:$0x3FB9] =	sst s10  }
0x35: {  	s10 =	sld [smem:$0x3FB8];
	_ =	sdelay $0x3  }
0x36: {  	p1 =	seq.s32 s10, $0x1;
	s10 =	sld [smem:$0x3FB9];
	_ =	sdelay $0x3  }
0x37: {  	[smem:$0x3FB9] =	sst s10  }
0x38: {  	s10 =	sld [smem:$0x3FBA]  }
0x39: {  	_ = 	snop;
	(pc) =	sbr.ind lr, $3  }
0x3a: {  	_ = 	snop  }
0x3b: {  	_ = 	snop  }
0x3c: {  	p2 =	seq.s32 s10, $0x1;
	s10 =	sld [smem:$0x3FB9]  }
0x3d: {  	_ =	shalt  }
0x3e: {  	_ =	shalt  }
0x3f: {  	_ =	shalt  }
0x40: {  	_ =	shalt  }
0x41: {  	_ =	shalt  }
0x42: {  	_ =	shalt  }
0x43: {  	_ =	shalt  }
0x44: {  	_ =	shalt  }
0x45: {  	_ =	shalt  }
0x46: {  	_ =	shalt  }
0x47: {  	_ =	shalt  }
0x48: {  	_ =	shalt  }
0x49: {  	_ =	shalt  }
0x4a: {  	_ =	shalt  }
0x4b: {  	_ =	shalt  }
0x4c: {  	_ =	shalt  }
0x4d: {  	_ =	shalt  }
0x4e: {  	_ =	shalt  }
0x4f: {  	_ =	shalt  }
0x50: {  	_ =	shalt  }
0x51: {  	_ =	shalt  }
0x52: {  	_ =	shalt  }
0x53: {  	_ =	shalt  }
0x54: {  	_ =	shalt  }
0x55: {  	_ =	shalt  }
0x56: {  	_ =	shalt  }
0x57: {  	_ =	shalt  }
0x58: {  	_ =	shalt  }
0x59: {  	_ =	shalt  }
0x5a: {  	_ =	shalt  }
0x5b: {  	_ =	shalt  }
0x5c: {  	_ =	shalt  }
0x5d: {  	_ =	shalt  }
0x5e: {  	_ =	shalt  }
0x5f: {  	_ =	shalt  }
0x60: {  	_ =	shalt  }
0x61: {  	_ =	shalt  }
0x62: {  	_ =	shalt  }
0x63: {  	_ =	shalt  }
0x64: {  	_ =	shalt  }
0x65: {  	_ =	shalt  }
0x66: {  	_ =	shalt  }
0x67: {  	_ =	shalt  }
0x68: {  	_ =	shalt  }
0x69: {  	_ =	shalt  }
0x6a: {  	_ =	shalt  }
0x6b: {  	_ =	shalt  }
0x6c: {  	_ =	shalt  }
0x6d: {  	_ =	shalt  }
0x6e: {  	_ =	shalt  }
0x6f: {  	_ =	shalt  }
0x70: {  	_ =	shalt  }
0x71: {  	_ =	shalt  }
0x72: {  	_ =	shalt  }
0x73: {  	_ =	shalt  }
0x74: {  	_ =	shalt  }
0x75: {  	_ =	shalt  }
0x76: {  	_ =	shalt  }
0x77: {  	_ =	shalt  }
0x78: {  	_ =	shalt  }
0x79: {  	_ =	shalt  }
0x7a: {  	_ =	shalt  }
0x7b: {  	_ =	shalt  }
0x7c: {  	_ =	shalt  }
0x7d: {  	_ =	shalt  }
0x7e: {  	_ =	shalt  }
0x7f: {  	_ =	shalt  }
0x80: {  	_ =	shalt  }
0x81: {  	_ =	shalt  }
0x82: {  	_ =	shalt  }
0x83: {  	_ =	shalt  }
0x84: {  	_ =	shalt  }
0x85: {  	_ =	shalt  }
0x86: {  	_ =	shalt  }
0x87: {  	_ =	shalt  }
.Lfunc_end0:
.L_simem_size_0:
called_computation_lowered:
.L_overlay_start_0:
0x88: {  	s2 =	sld [smem:$0x3FD9]  }
0x89: {  	s3 =	sld [smem:$0x3FFE];
	_ =	sdelay $0x1  }
0x8a: {  	s1 =	srdreg.scid  }
0x8b: {  	s0 =	sand.u32 $0x1, s1  }
0x8c: {  	s17 =	sshll.u32 s0, $0xA;
	s2 =	sadd.s32 s3, s2  }
0x8d: {  	s2 =	sadd.s32 s2, s17  }
0x8e: {  	[smem:$0x3FC5] =	sst s2  }
0x8f: {  	_ = 	snop  }
0x90: {  	s2 =	sld [smem:$0x3FC9]  }
0x91: {  	s18 =	sld [smem:$0x3FC8]  }
0x92: {  	s4 =	sld [smem:$0x3FD0];
	(tm) =	ssettm $0x1  }
0x93: {  	s5 =	sld [smem:$0x3FFB];
	_ =	sdelay $0x3  }
0x94: {  	_ =	strace s5  }
0x95: {  	s5 =	sld [smem:$0x3FFC];
	_ =	sdelay $0x3  }
0x96: {  	_ =	strace s5  }
0x97: {  	s5 =	sld [smem:$0x3FFD];
	_ =	sdelay $0x3  }
0x98: {  	_ =	strace s5  }
0x99: {  	_ =	strace $0x8FFFFFFF  }
0x9a: {  	s19 =	sld [smem:$0x3FDB];
	_ =	sdelay $0x1  }
0x9b: {  	s6 =	simm.s32 $_scs_section_size  }
0x9c: {  	s7 =	simm.s32 $_size__tile_overlayer_lowered;
	s8 =	simm.s32 $_tile_overlayer_lowered  }
0x9d: {  	s22 =	simm.s32 $0x1BFF;
	s21 =	sshll.u32 s8, $0x1;
	s5 =	sadd.s32 s6, s19  }
0x9e: {  	s9 =	simm.s32 $0x0;
	s20 =	sshll.u32 s7, $0x1;
	s7 =	sadd.s32 s21, s5  }
0x9f: {  	[timem:s9], [sflag:s22] =	dma.local [hbm:s7], s20  }
0xa0: {  	_ =	swait.ge [sflag:s22], s20  }
0xa1: {  	s6 =	ssub.s32 $0x0, s20;
	[sflag:s22] =	ssyncset.done $0x0  }
0xa2: {  	[sflag:s22] =	ssyncadd.s32 s6;
	_ =	sdelay $0x1  }
0xa3: {  	s23 =	simm.s32 $0x1B8B  }
0xa4: {  	_ =	swait.ge [sflag:s23], $0x1  }
0xa5: {  	[sflag:s23] =	ssyncset.done $0x0  }
0xa6: {  	s25 =	simm.s32 $0x1B8E;
	s24 =	sld [smem:$0x3FFE];
	[sflag:s23] =	ssyncadd.s32 $0xFFFFFFFF  }
0xa7: {  	s26 =	simm.s32 $execute0_lowered;
	[smem:$0x3FD2] =	sst s25  }
0xa8: {  	s7 =	sshll.u32 s26, $0x1;
	_ =	strace $0x80000046;
	[dreg:$0x1] =	wrdreg $0xFFFFFFFF  }
0xa9: {  	s28 =	simm.s32 $_size_execute0_lowered;
	s5 =	sadd.s32 s5, s7;
	[dreg:$0x0] =	wrdreg $0x0  }
0xaa: {  	s7 =	sshll.u32 s28, $0x1;
	[dreg:$0x2] =	wrdreg s5  }
0xab: {  	[dreg:$0x3] =	wrdreg s7  }
0xac: {  	[dreg:$0x4] =	wrdreg $0xC0  }
0xad: {  	_ =	task [dreg:s9], $0x5FFFF  }
0xae: {  	[dreg:$0x1] =	wrdreg $0xFFFFFFFF  }
0xaf: {  	[dreg:$0x0] =	wrdreg $0x60  }
0xb0: {  	[dreg:$0x2] =	wrdreg s2  }
0xb1: {  	[dreg:$0x3] =	wrdreg s18  }
0xb2: {  	[dreg:$0x4] =	wrdreg s4  }
0xb3: {  	[dreg:$0x5] =	wrdreg s24  }
0xb4: {  	[dreg:$0x6] =	wrdreg $0xC4800  }
0xb5: {  	[dreg:$0x7] =	wrdreg $0x1FD000  }
0xb6: {  	[dreg:$0x8] =	wrdreg $0x9  }
0xb7: {  	_ =	task.clear_ibuf [dreg:s9], $0x9FFFF;
	_ =	strace $0x90000046  }
0xb8: {  	s29 =	simm.s32 $0x9;
	_ =	strace $0x80000048  }
0xb9: {  	_ =	swait.ge [sflag:s29], $0x1  }
0xba: {  	[sflag:s29] =	ssyncadd.s32 $0xFFFFFFFF  }
0xbb: {  	_ =	strace $0x90000048  }
0xbc: {  	_ =	sfence  }
0xbd: {  	s30 =	sld [smem:$0x0];
	_ =	sdelay $0x2  }
0xbe: {  	s31 =	sshll.u32 s1, $0xD;
	s1 =	sshrl.u32 s1, $0x2  }
0xbf: {  	s3 =	sand.u32 $0x4000, s31;
	s1 =	sadd.s32 s1, s30  }
0xc0: {  	s0 =	sor.u32 s3, s0;
	s1 =	sshll.u32 s1, $0x11  }
0xc1: {  	s0 =	sor.u32 s1, s0  }
0xc2: {  	s0 =	sadd.s32 $0x8F2B, s0  }
0xc3: {  	[sflag:s0] =	ssyncadd.remote.s32 $0x1  }
0xc4: {  	_ =	sfence.sel $0xFFFF  }
0xc5: {  	[dreg:$0x0] =	wrdreg $0xFFFFFFFF;
	(pc) =	sbr.abs _section_cstart, $3  }
0xc6: {  	[dreg:$0x1] =	wrdreg $0xFFFFFFFF  }
0xc7: {  	_ =	task.clear_ibuf [dreg:s9], $0x2FFFF;
	_ =	strace $0x9FFFFFFF  }
0xc8: {  	(tm) =	ssettm $0x7FFFFFFF  }
0xc9: {  	_ =	shalt  }
tec
execute0_lowered:
.L_overlay_start_1:
0x0: {  	(tag) =	ssettag $0x1  }
0x1: {  	s18 =	rddreg [dreg:$0x0]  }
0x2: {  	s0 =	rddreg [dreg:$0x1]  }
0x3: {  	s2 =	rddreg [dreg:$0x3]  }
0x4: {  	s29 =	rddreg [dreg:$0x4]  }
0x5: {  	s4 =	rddreg [dreg:$0x5]  }
0x6: {  	s3 =	simm.s32 $0x0;
	s1 =	stileid.u32;
	s7 =	simm.s32 $0x4F  }
0x7: {  	s20 =	srdreg.scid;
	[smem:$0x7FF] =	sst s3;
	p0 =	slt.u32 s1, $0x2  }
0x8: {  	s3 =	sand.u32 $0x1, s20;
	s6 =	smul.u32 $0x4F000, s1;
	s5 =	sadd.s32 $0x1400, s2  }
0x9: {  	s11 =	sadd.s32 $0x2000, s2;
	s13 =	smul.u32 $0xA00, s1;
	s24 =	sadd.s32 $0x128400, s29  }
0xa: {  	s25 =	sadd.s32 $0x2580, s4;
	s26 =	smul.u32 $0x13C00, s1;
	s14 =	sshll.u32 s1, $0x6  }
0xb: {  	s28 =	smul.u32 $0x280, s1;
	_ =	strace $0x80000047;
	[dreg:$0xa] =	wrdreg s5  }
0xc: {  	s17 =	sadd.s32 $0x10, s0;
	s7 =	simm.s32 @!p0 $0x4E;
	[dreg:$0xc] =	wrdreg s24  }
0xd: {  	s9 =	ssub.s32 $0x2, s3;
	s23 =	smul.u32 $0x138800, s3;
	[dreg:$0xd] =	wrdreg s25  }
0xe: {  	s15 =	sshll.u32 s3, $0x5;
	s16 =	smul.u32 $0x2780, s3;
	s3 =	sshll.u32 s3, $0x8  }
0xf: {  	p0 =	seq.s32 s1, $0xF;
	s8 =	sadd.s32 $0xFFFFFFFF, s7;
	s12 =	sshrl.u32 s9, $0x1  }
0x10: {  	s6 =	sshrl.u32 s6, $0x2;
	s21 =	sshrl.u32 s13, $0x2;
	s14 =	sor.u32 s15, s14  }
0x11: {  	s10 =	smul.u32 $0x56, s8;
	s9 =	ssub.s32 s9, s12;
	s22 =	sadd.s32 s6, s29  }
0x12: {  	s6 =	sadd.s32 s21, s4;
	s13 =	sadd.s32 s26, s23;
	s5 =	sadd.s32 s0, s14  }
0x13: {  	s12 =	sshrl.u32 s23, $0x3;
	s19 =	sadd.s32 s14, s17;
	[dreg:$0xb] =	wrdreg s22  }
0x14: {  	s30 =	sshrl.u32 s13, $0x3;
	s13 =	sshll.u32 s1, $0x9;
	[dreg:$0x10] =	wrdreg s19  }
0x15: {  	s22 =	simm.s32 $0xC400;
	s23 =	sadd.s32 $0x400, s5;
	[dreg:$0xe] =	wrdreg s5  }
0x16: {  	s1 =	sshrl.u32 @!p0 s6, $0x3;
	s10 =	sshrl.u32 s10, $0x8;
	[dreg:$0x14] =	wrdreg s23  }
0x17: {  	s3 =	sor.u32 s3, s13;
	[dreg:$0x7] =	wrdreg s22;
	s10 =	smul.u32 $0x3, s10  }
0x18: {  	[dreg:$0x1a] =	wrdreg s1;
	s21 =	sor.u32 $0x6000, s3;
	s3 =	sor.u32 $0x4000, s3  }
0x19: {  	s3 =	sshrl.u32 s3, $0x3;
	s8 =	ssub.s32 s8, s10;
	s10 =	sadd.s32 s11, s30  }
0x1a: {  	s2 =	sadd.s32 $0x1600, s2;
	s0 =	sadd.s32 s3, s0;
	[dreg:$0xf] =	wrdreg s10  }
0x1b: {  	s11 =	sadd.s32 s11, s12;
	s30 =	sadd.s32 $0x410, s5;
	[dreg:$0x13] =	wrdreg s0  }
0x1c: {  	s31 =	sadd.s32 s28, s16;
	s26 =	sadd.s32 $0x25080, s11;
	[dreg:$0x1c] =	wrdreg s30  }
0x1d: {  	s0 =	sadd.s32 s28, s4;
	s28 =	smax.u32 s9, $0x1;
	[dreg:$0x17] =	wrdreg s26  }
0x1e: {  	s10 =	sshrl.u32 s31, $0x3;
	s31 =	sadd.s32 $0x810, s5;
	[dreg:$0x19] =	wrdreg s28  }
0x1f: {  	s8 =	sand.u32 $0xFF, s8;
	s10 =	sadd.s32 s2, s10;
	[dreg:$0x1d] =	wrdreg s31  }
0x20: {  	s24 =	sadd.s32 $0xB, s8;
	[dreg:$0x11] =	wrdreg s10  }
0x21: {  	s20 =	sshrl.u32 s16, $0x3;
	s25 =	sadd.s32 $0xE, s8;
	[dreg:$0x15] =	wrdreg s24  }
0x22: {  	s2 =	sadd.s32 s2, s20;
	s0 =	sshrl.u32 @!p0 s0, $0x3;
	[dreg:$0x16] =	wrdreg s25  }
0x23: {  	s10 =	sshrl.u32 s21, $0x3;
	s2 =	sadd.s32 $0x4B0, s2;
	[dreg:$0x1b] =	wrdreg s0  }
0x24: {  	s10 =	sadd.s32 s10, s17;
	[dreg:$0x18] =	wrdreg s2  }
0x25: {  	v0 =	vimm.f32 $1.000000000e+00;
	s1 =	simm.s32 $0x0;
	s9 =	simm.s32 $0x80;
	[dreg:$0x12] =	wrdreg s10  }
.LBB2_1:
0x26: {  	[tilespmem:$0xC400] =	vst v0  }
0x27: {  	[tilespmem:$0xC410] =	vst v0  }
0x28: {  	[tilespmem:$0xC420] =	vst v0  }
0x29: {  	[tilespmem:$0xC430] =	vst v0  }
0x2a: {  	[dreg:$0x1e] =	wrdreg s1;
	[tilespmem:$0xC440] =	vst v0  }
0x2b: {  	[tilespmem:$0xC450] =	vst v0;
	s0 =	rddreg [dreg:$0xc]  }
0x2c: {  	[tilespmem:$0xC460] =	vst v0;
	s1 =	rddreg [dreg:$0x2];
	s2 =	sshrl.u32 @p0 s0, $0x3  }
0x2d: {  	[tilespmem:$0xC470] =	vst v0;
	s5 =	simm.s32 @p0 $0x1FD1;
	s3 =	simm.s32 @p0 $0x11;
	[dreg:$0x1f] =	wrdreg s2  }
0x2e: {  	[spmem:s2], [sflag:s5] =	dma.local @p0 [hbm:s1], $0x2080  }
0x2f: {  	_ =	swait.ge @p0 [sflag:s3], $0x2080  }
0x30: {  	s0 =	rddreg [dreg:$0xd]  }
0x31: {  	[sflag:s3] =	ssyncset.done @p0 $0x0;
	s2 =	rddreg [dreg:$0xa];
	s0 =	sshrl.u32 @p0 s0, $0x3  }
0x32: {  	[sflag:s3] =	ssyncadd.s32 @p0 $0xFFFFDF80;
	[smem:$0x7FB] =	sst s0  }
0x33: {  	[spmem:s0], [sflag:s5] =	dma.local @p0 [hbm:s2], $0x40  }
0x34: {  	s0 =	stileid.u32;
	_ =	swait.ge @p0 [sflag:s3], $0x40  }
0x35: {  	s0 =	sshll.u32 @!p0 s0, $0x6;
	[sflag:s3] =	ssyncset.done @p0 $0x0  }
0x36: {  	[sflag:s3] =	ssyncadd.s32 @p0 $0xFFFFFFC0;
	s3 =	sor.u32 @!p0 $0x1C11, s0;
	s0 =	rddreg [dreg:$0xb]  }
0x37: {  	s0 =	sshrl.u32 @!p0 s0, $0x3  }
0x38: {  	[smem:$0x7FC] =	sst s0  }
0x39: {  	[spmem:s0], [sflag:s3] =	dma.local @!p0 [hbm:s1], $0x2780  }
0x3a: {  	s1 =	simm.s32 @!p0 $0x11  }
0x3b: {  	_ =	swait.ge @!p0 [sflag:s1], $0x2780  }
0x3c: {  	s20 =	simm.s32 $0x0;
	[sflag:s1] =	ssyncset.done @!p0 $0x0;
	s0 =	rddreg [dreg:$0x1a]  }
0x3d: {  	s24 =	simm.s32 $0x200;
	[smem:$0x7FD] =	sst s3;
	[sflag:s1] =	ssyncadd.s32 @!p0 $0xFFFFD880  }
0x3e: {  	[spmem:s0], [sflag:s3] =	dma.local @!p0 [hbm:s2], $0x50  }
0x3f: {  	s26 =	simm.s32 $0x280;
	s10 =	simm.s32 $0x300;
	_ =	swait.ge @!p0 [sflag:s1], $0x50  }
0x40: {  	s11 =	simm.s32 $0x4;
	s12 =	simm.s32 $0x400;
	[sflag:s1] =	ssyncset.done @!p0 $0x0  }
0x41: {  	s13 =	simm.s32 $0x2;
	s14 =	simm.s32 $0x5;
	[sflag:s1] =	ssyncadd.s32 @!p0 $0xFFFFFFB0  }
0x42: {  	p2 =	sne.s32 s7, $0x1;
	p3 =	por $0x1, $0x1;
	[bflag:$0x0] =	sbarrier.arrive $0xFFFF  }
0x43: {  	s30 =	simm.s32 $0x4;
	s17 =	simm.s32 $0x2;
	s21 =	rddreg [dreg:$0xe]  }
0x44: {  	[tilespmem:s20], [sflag:$0x1] =	stream.linear.gather [hbm4b:s21+s20], $0x80, $0x38;
	[tilespmem:$0x1FF78] =	vst v63  }
0x45: {  	p1 =	sle.u32 s7, $0x2;
	s0 =	smulhi.u32 $0xAAAAAAAB, s13;
	s22 =	rddreg [dreg:$0x14]  }
0x46: {  	[tilespmem:s9], [sflag:$0x2] =	stream.linear.gather [hbm4b:s22+s20], $0x80, $0x38;
	[tilespmem:$0x1FF78] =	vst v63  }
0x47: {  	s28 =	simm.s32 $0x4;
	s15 =	sshrl.u32 s0, $0x1;
	s23 =	rddreg [dreg:$0x10]  }
0x48: {  	[tilespmem:s24], [sflag:$0x4] =	stream.linear.gather [hbm4b:s23+s20], $0x80, $0x38;
	[tilespmem:$0x1FF78] =	vst v63  }
0x49: {  	s17 =	sand.u32 @!p1 $0x3, s17;
	s6 =	smul.u32 $0xFFFFFFF4, s15;
	s25 =	rddreg [dreg:$0x1c]  }
0x4a: {  	[tilespmem:s26], [sflag:$0x5] =	stream.linear.gather [hbm4b:s25+s20], $0x80, $0x38;
	[tilespmem:$0x1FF78] =	vst v63  }
0x4b: {  	s0 =	simm.s32 $0x3;
	s3 =	smul.u32 $0xFFFFFA00, s15;
	s8 =	rddreg [dreg:$0x1d]  }
0x4c: {  	[tilespmem:s10], [sflag:$0x6] =	stream.linear.gather [hbm4b:s8+s20], $0x80, $0x38;
	[tilespmem:$0x1FF78] =	vst v63  }
0x4d: {  	s6 =	sshra.s32 s6, $0x2;
	s3 =	sshra.s32 s3, $0x2;
	_ =	swait.ge [sflag:s11], $0x80  }
0x4e: {  	s21 =	simm.s32 $0x1;
	s16 =	sadd.s32 $0x10, s6;
	[sflag:s11] =	ssyncset.done $0x0  }
0x4f: {  	s3 =	sadd.s32 $0x100, s3;
	s22 =	simm.s32 $0x80;
	[sflag:s11] =	ssyncadd.s32 $0xFFFFFF80  }
0x50: {  	[tilespmem:s12], [sflag:$0x8] =	stream.indirect.gather [hbm4b:s18+s9], $0x80, s24, s9, $0xb8;
	[tilespmem:$0x1FF78] =	vst v63  }
0x51: {  	s23 =	simm.s32 $0x4400;
	s25 =	smulhi.u32 $0xAAAAAAAB, s20;
	_ =	swait.ge [sflag:s14], $0x80  }
0x52: {  	s8 =	sadd.s32 $0xD, s6;
	s10 =	smul.u32 $0xFFFD0000, s15;
	[sflag:s14] =	ssyncset.done $0x0  }
0x53: {  	s8 =	sadd.s32 @!p3 $0x0, s8;
	s24 =	simm.s32 $0x4400;
	[sflag:s14] =	ssyncadd.s32 $0xFFFFFF80  }
0x54: {  	[tilespmem:s24], [sflag:$0x9] =	stream.indirect.gather [hbm4b:s18+s9], $0x80, s26, s9, $0xb8;
	[tilespmem:$0x1FF78] =	vst v63  }
0x55: {  	s20 =	sadd.s32 $0xA, s6;
	s10 =	sshra.s32 s10, $0x2;
	_ =	swait.ge @!p3 [sflag:s8], $0x4000  }
0x56: {  	s6 =	sadd.s32 $0x3, s6;
	s10 =	sadd.s32 $0x8400, s10;
	[sflag:s8] =	ssyncset.done @!p3 $0x0  }
0x57: {  	[sflag:s8] =	ssyncadd.s32 @!p3 $0xFFFFC000;
	s8 =	sadd.s32 @!p3 $0x0, s16;
	s16 =	sshrl.u32 s25, $0x1  }
0x58: {  	s12 =	simm.s32 $0x180;
	_ =	swait.ge @!p3 [sflag:s8], $0x80;
	s19 =	smul.u32 $0xFFFFFFF4, s16  }
0x59: {  	s24 =	simm.s32 @!p1 $0x80;
	s5 =	smul.u32 $0xFFFD0000, s16;
	[sflag:s8] =	ssyncset.done @!p3 $0x0  }
0x5a: {  	s25 =	simm.s32 $0x3;
	s16 =	smul.u32 $0xFFFFFA00, s16;
	[sflag:s8] =	ssyncadd.s32 @!p3 $0xFFFFFF80  }
0x5b: {  	s8 =	sor.u32 @!p1 $0x4, s17;
	s17 =	sshll.u32 @!p1 s17, $0x7;
	s19 =	sshra.s32 s19, $0x2  }
0x5c: {  	s16 =	sshra.s32 s16, $0x2;
	p3 =	sle.u32 s7, $0x3;
	_ =	swait.ge @!p1 [sflag:s8], $0x80  }
0x5d: {  	s17 =	sor.u32 @!p1 $0x200, s17;
	s26 =	sadd.s32 $0x8, s19;
	s11 =	sadd.s32 $0x1, s19  }
0x5e: {  	s13 =	sadd.s32 $0xB, s19;
	s19 =	sadd.s32 $0xE, s19;
	s16 =	sadd.s32 $0x0, s16  }
0x5f: {  	[sflag:s8] =	ssyncset.done @!p1 $0x0;
	s1 =	rddreg [dreg:$0x13];
	s2 =	sadd.s32 $0x0, s26  }
0x60: {  	s15 =	sadd.s32 $0x0, s19;
	[sflag:s8] =	ssyncadd.s32 @!p1 $0xFFFFFF80;
	s8 =	sadd.s32 @!p1 $0x0, s20  }
0x61: {  	[tilespmem:s10], [sflag:s8] =	stream.indirect.gather @!p1 [hbm4b:s18+s24], $0x80, s17, s24, $0xb8;
	[tilespmem:$0x1FF78] =	vst v63  }
0x62: {  	s31 =	sadd.s32 $0x400, s1;
	s20 =	sadd.s32 @!p1 $0x0, s6;
	_ =	swait.ge [sflag:s2], $0x4000  }
0x63: {  	s6 =	sand.u32 @!p3 $0x3, s0;
	s24 =	simm.s32 $0xC400;
	[sflag:s2] =	ssyncset.done $0x0  }
0x64: {  	s17 =	sadd.s32 $0x0, s11;
	s10 =	sshra.s32 s5, $0x2;
	[sflag:s2] =	ssyncadd.s32 $0xFFFFC000  }
0x65: {  	s8 =	sadd.s32 $0x0, s13;
	s10 =	sadd.s32 $0x400, s10;
	_ =	swait.ge [sflag:s17], $0x80  }
.Ltmp0:
0x66: {  	[sflag:s17] =	ssyncset.done $0x0;
	s19 =	rddreg [dreg:$0x12];
	(pc) =	sbr.rel @!p2 .LBB2_3-.Ltmp0, $4  }
0x67: {  	s14 =	rddreg [dreg:$0x7];
	[sflag:s17] =	ssyncadd.s32 $0xFFFFFF80;
	s26 =	sadd.s32 $0x400, s19  }
0x68: {  	[spmem:s29] =	stream.indirect.scatter.add.f32 [tilespmem:s10], [sflag:s8], $0x80, s16, s9, $0xb8;
	[tilespmem:$0x1FF78] =	vst v63  }
0x69: {  	s17 =	smov.u32 s1;
	s5 =	smov.u32 s19;
	s8 =	simm.s32 @!p1 $0x0  }
0x6a: {  	[spmem:s4] =	stream.indirect.scatter.add.f32 [tilespmem:s14], [sflag:s15], $0x1, s16, s9, $0xb8;
	[tilespmem:$0x1FF78] =	vst v63  }
.LBB2_2:
0x6b: {  	[tilespmem:s3], [sflag:s20] =	stream.linear.gather @!p1 [hbm4b:s17+s8], $0x80, $0x38;
	[tilespmem:$0x1FF78] =	vst v63  }
0x6c: {  	s0 =	smov.u32 s21  }
0x6d: {  	s8 =	smov.u32 s22;
	s1 =	smov.u32 s12;
	s10 =	sshll.u32 @!p3 s6, $0x7  }
0x6e: {  	s17 =	sor.u32 @!p3 $0x4, s6;
	s19 =	simm.s32 @!p3 $0x0;
	s21 =	sadd.s32 $0x1, s21  }
0x6f: {  	s6 =	smov.u32 s23;
	s20 =	smov.u32 s30;
	s13 =	smov.u32 s24  }
0x70: {  	s9 =	smulhi.u32 $0xAAAAAAAB, s25;
	s11 =	smov.u32 s26;
	s22 =	sadd.s32 $0x80, s22  }
0x71: {  	s12 =	sadd.s32 $0x80, s12;
	s23 =	sadd.s32 $0x4000, s23;
	s30 =	sadd.s32 $0x4, s30  }
0x72: {  	s24 =	sadd.s32 $0x4000, s24;
	s25 =	sadd.s32 $0x1, s25;
	s3 =	smov.u32 s29  }
0x73: {  	s29 =	smov.u32 s18;
	s16 =	smov.u32 s4;
	s26 =	sadd.s32 $0x400, s26  }
0x74: {  	[dreg:$0x8] =	wrdreg s1;
	s10 =	sor.u32 @!p3 $0x200, s10;
	p2 =	sne.s32 s21, s7  }
0x75: {  	[dreg:$0x9] =	wrdreg s11;
	s11 =	sadd.s32 $0xFFFFFFFF, s28;
	s4 =	sadd.s32 $0x2, s0  }
0x76: {  	[tilespmem:s10], [sflag:s17] =	stream.linear.gather @!p3 [hbm4b:s5+s19], $0x80, $0x38;
	[tilespmem:$0x1FF78] =	vst v63  }
0x77: {  	s17 =	smov.u32 s31;
	s10 =	sshrl.u32 s9, $0x1;
	s5 =	smulhi.u32 $0xAAAAAAAB, s0  }
0x78: {  	s31 =	sadd.s32 $0x400, s31;
	p3 =	seq.s32 s20, $0x0;
	s14 =	smul.u32 $0xFFFFFFF4, s10  }
0x79: {  	p1 =	sge.u32 s4, s7;
	s0 =	sadd.s32 $0x3, s0;
	s15 =	smul.u32 $0xFFFD0000, s10  }
0x7a: {  	s10 =	smul.u32 $0xFFFFFA00, s10;
	s2 =	sshra.s32 @!p3 s20, $0x2;
	s18 =	sshra.s32 s14, $0x2  }
0x7b: {  	s4 =	sshrl.u32 s5, $0x1;
	s5 =	sand.u32 @!p1 $0x3, s11;
	s19 =	sadd.s32 $0xD, s18  }
0x7c: {  	s15 =	sshra.s32 s15, $0x2;
	s10 =	sshra.s32 s10, $0x2;
	s9 =	sadd.s32 @!p3 s2, s19  }
0x7d: {  	s14 =	sadd.s32 $0x10, s18;
	s1 =	sadd.s32 $0x3, s18;
	_ =	swait.ge @!p3 [sflag:s9], $0x4000  }
0x7e: {  	s19 =	sshra.s32 s20, $0x2;
	s2 =	sadd.s32 @!p3 s2, s14;
	[sflag:s9] =	ssyncset.done @!p3 $0x0  }
0x7f: {  	[sflag:s9] =	ssyncadd.s32 @!p3 $0xFFFFC000;
	s9 =	sadd.s32 s15, s13;
	s15 =	smul.u32 $0xFFFFFFF4, s4  }
0x80: {  	s14 =	sadd.s32 $0xA, s18;
	s18 =	simm.s32 @!p1 $0x80;
	_ =	swait.ge @!p3 [sflag:s2], $0x80  }
0x81: {  	s13 =	sshra.s32 @!p1 s20, $0x2;
	[sflag:s2] =	ssyncset.done @!p3 $0x0;
	s11 =	sshra.s32 s15, $0x2  }
0x82: {  	[sflag:s2] =	ssyncadd.s32 @!p3 $0xFFFFFF80;
	s2 =	sor.u32 @!p1 $0x4, s5;
	s5 =	sshll.u32 @!p1 s5, $0x7  }
0x83: {  	s15 =	sadd.s32 $0x8, s11;
	s20 =	sadd.s32 $0x1, s11;
	_ =	swait.ge @!p1 [sflag:s2], $0x80  }
0x84: {  	p3 =	sge.u32 s0, s7;
	s5 =	sor.u32 @!p1 $0x200, s5;
	[sflag:s2] =	ssyncset.done @!p1 $0x0  }
0x85: {  	[sflag:s2] =	ssyncadd.s32 @!p1 $0xFFFFFF80;
	s2 =	sadd.s32 @!p1 s13, s14;
	s14 =	sadd.s32 s19, s15  }
0x86: {  	[tilespmem:s9], [sflag:s2] =	stream.indirect.gather @!p1 [hbm4b:s29+s18], $0x80, s5, s18, $0xb8;
	[tilespmem:$0x1FF78] =	vst v63  }
0x87: {  	s15 =	sadd.s32 s19, s20;
	s20 =	sadd.s32 @!p1 s13, s1;
	s18 =	smov.u32 s29  }
0x88: {  	s29 =	smov.u32 s3;
	s9 =	smul.u32 $0xFFFD0000, s4;
	_ =	swait.ge [sflag:s14], $0x4000  }
0x89: {  	s2 =	sadd.s32 $0xB, s11;
	s4 =	smul.u32 $0xFFFFFA00, s4;
	[sflag:s14] =	ssyncset.done $0x0  }
0x8a: {  	s11 =	sadd.s32 $0xE, s11;
	s2 =	sadd.s32 s19, s2;
	[sflag:s14] =	ssyncadd.s32 $0xFFFFC000  }
0x8b: {  	s5 =	sshra.s32 s9, $0x2;
	s4 =	sshra.s32 s4, $0x2;
	_ =	swait.ge [sflag:s15], $0x80  }
0x8c: {  	s9 =	simm.s32 $0x80;
	s6 =	sadd.s32 s5, s6;
	[sflag:s15] =	ssyncset.done $0x0  }
0x8d: {  	s4 =	sadd.s32 s4, s8;
	s13 =	rddreg [dreg:$0x7];
	[sflag:s15] =	ssyncadd.s32 $0xFFFFFF80  }
.Ltmp1:
0x8e: {  	s15 =	sadd.s32 s19, s11;
	s19 =	rddreg [dreg:$0x8];
	(pc) =	sbr.rel @p2 .LBB2_2-.Ltmp1, $4  }
0x8f: {  	[spmem:s3] =	stream.indirect.scatter.add.f32 [tilespmem:s6], [sflag:s2], $0x80, s4, s9, $0xb8;
	[tilespmem:$0x1FF78] =	vst v63  }
0x90: {  	s8 =	simm.s32 @!p1 $0x0;
	s5 =	rddreg [dreg:$0x9];
	s3 =	sadd.s32 s10, s19  }
0x91: {  	[spmem:s16] =	stream.indirect.scatter.add.f32 [tilespmem:s13], [sflag:s15], $0x1, s4, s9, $0xb8;
	[tilespmem:$0x1FF78] =	vst v63  }
0x92: {  	s6 =	sand.u32 @!p3 $0x3, s28;
	s28 =	sadd.s32 $0x1, s28;
	s4 =	smov.u32 s16  }
.LBB2_3:
0x93: {  	[tilespmem:s3], [sflag:s20] =	stream.linear.gather @!p1 [hbm4b:s17+s8], $0x80, $0x38;
	[tilespmem:$0x1FF78] =	vst v63  }
0x94: {  	s0 =	sshll.u32 @!p3 s6, $0x7;
	s1 =	sor.u32 @!p3 $0x4, s6  }
0x95: {  	s2 =	simm.s32 @!p3 $0x0;
	s26 =	rddreg [dreg:$0x15];
	s0 =	sor.u32 @!p3 $0x200, s0  }
0x96: {  	[tilespmem:s0], [sflag:s1] =	stream.linear.gather @!p3 [hbm4b:s5+s2], $0x80, $0x38;
	[tilespmem:$0x1FF78] =	vst v63  }
0x97: {  	_ =	swait.ge [sflag:s26], $0x4000  }
0x98: {  	[sflag:s26] =	ssyncset.done $0x0  }
0x99: {  	s28 =	rddreg [dreg:$0x16];
	[sflag:s26] =	ssyncadd.s32 $0xFFFFC000  }
0x9a: {  	_ =	swait.ge [sflag:s28], $0x80  }
0x9b: {  	[sflag:s28] =	ssyncset.done $0x0  }
0x9c: {  	[sflag:s28] =	ssyncadd.s32 $0xFFFFFF80  }
0x9d: {  	[bflag:$0x0] =	sbarrier.arrive $0xFFFF  }
0x9e: {  	s0 =	rddreg [dreg:$0x17]  }
0x9f: {  	s2 =	simm.s32 @p0 $0x1FD1;
	s1 =	rddreg [dreg:$0x1f]  }
0xa0: {  	[hbm:s0], [sflag:s2] =	dma.local @p0 [spmem:s1], $0x2080  }
0xa1: {  	s1 =	simm.s32 @p0 $0x11  }
0xa2: {  	_ =	swait.ge @p0 [sflag:s1], $0x2080  }
0xa3: {  	s3 =	sld [smem:$0x7FB]  }
0xa4: {  	[sflag:s1] =	ssyncset.done @p0 $0x0  }
0xa5: {  	s0 =	rddreg [dreg:$0x18];
	[sflag:s1] =	ssyncadd.s32 @p0 $0xFFFFDF80  }
0xa6: {  	[hbm:s0], [sflag:s2] =	dma.local @p0 [spmem:s3], $0x40  }
0xa7: {  	_ =	swait.ge @p0 [sflag:s1], $0x40  }
0xa8: {  	[sflag:s1] =	ssyncset.done @p0 $0x0;
	s3 =	sld [smem:$0x7FD]  }
0xa9: {  	[sflag:s1] =	ssyncadd.s32 @p0 $0xFFFFFFC0;
	s1 =	sld [smem:$0x7FC];
	_ =	sdelay $0x1  }
0xaa: {  	s2 =	simm.s32 @!p0 $0x11;
	s0 =	rddreg [dreg:$0xf]  }
0xab: {  	[hbm:s0], [sflag:s3] =	dma.local @!p0 [spmem:s1], $0x2780  }
0xac: {  	_ =	swait.ge @!p0 [sflag:s2], $0x2780  }
0xad: {  	[sflag:s2] =	ssyncset.done @!p0 $0x0;
	s0 =	rddreg [dreg:$0x11]  }
0xae: {  	s1 =	rddreg [dreg:$0x1b];
	[sflag:s2] =	ssyncadd.s32 @!p0 $0xFFFFD880  }
0xaf: {  	[hbm:s0], [sflag:s3] =	dma.local @!p0 [spmem:s1], $0x50  }
0xb0: {  	_ =	swait.ge @!p0 [sflag:s2], $0x50  }
0xb1: {  	s30 =	rddreg [dreg:$0x1e]  }
0xb2: {  	s31 =	rddreg [dreg:$0x19];
	s1 =	sadd.s32 $0x1, s30  }
0xb3: {  	p1 =	sne.s32 s1, s31  }
.Ltmp2:
0xb4: {  	_ = 	snop;
	(pc) =	sbr.rel @p1 .LBB2_1-.Ltmp2, $3  }
0xb5: {  	_ =	sdelay $0x1  }
0xb6: {  	[sflag:s2] =	ssyncset.done @!p0 $0x0  }
0xb7: {  	[sflag:s2] =	ssyncadd.s32 @!p0 $0xFFFFFFB0  }
0xb8: {  	_ =	sfence.sel $0x180000  }
0xb9: {  	[bflag:$0x0] =	sbarrier.arrive $0xFFFF  }
0xba: {  	_ =	strace $0x90000047  }
0xbb: {  	s0 =	stileid.u32;
	[bflag:$0x2] =	sbarrier.arrive $0xFFFF  }
0xbc: {  	p0 =	sne.s32 s0, $0x0;
	s0 =	rddreg [dreg:$0x6]  }
0xbd: {  	s0 =	sadd.s32 @!p0 $0x100000, s0  }
0xbe: {  	[sflag:s0] =	ssyncadd.tile.s32 @!p0 $0x1;
	_ =	shalt  }
.Lfunc_end2:
_tile_overlayer_lowered:
.L_overlay_start_2:
0xbf: {  	(tag) =	ssettag $0x2  }
0xc0: {  	s0 =	rddreg [dreg:$0x0];
	s2 =	stileid.u32  }
0xc1: {  	s1 =	rddreg [dreg:$0x1];
	p0 =	sne.s32 s2, $0x0  }
0xc2: {  	s3 =	rddreg [dreg:$0x2];
	[bflag:$0x3] =	sbarrier.arrive $0xFFFF;
	s2 =	simm.s32 @!p0 $0x1C11  }
0xc3: {  	[timem:s3], [sflag:s2] =	dma.local @!p0 [hbm:s0], s1  }
0xc4: {  	s0 =	simm.s32 @!p0 $0x11  }
0xc5: {  	_ =	swait.ge @!p0 [sflag:s0], s1  }
0xc6: {  	s1 =	ssub.s32 @!p0 $0x0, s1;
	[sflag:s0] =	ssyncset.done @!p0 $0x0  }
0xc7: {  	[sflag:s0] =	ssyncadd.s32 @!p0 s1  }
0xc8: {  	[bflag:$0x3] =	sbarrier.arrive $0xFFFF  }
0xc9: {  	_ =	shalt  }

</sc_bundles>
